<compile_context>
chip_gen: v7x
topology: tpu7x:2x2x1
jax: 0.10.2.dev20260603
libtpu: 0.0.44.dev20260713+nightly
codegen_flags: <defaults>
</compile_context>

<pallas_src>
import functools

import jax
import jax.numpy as jnp
from jax import lax
from jax.experimental import pallas as pl
from jax.experimental.pallas import tpu as pltpu
from jax.experimental.pallas import tpu_sc as plsc

VOCAB = 100000
D = 64
B = 4096
S = 200

_INFO = plsc.get_sparse_core_info()
NC = _INFO.num_cores
NS = _INFO.num_subcores
NW = NC * NS

B_W = B // NW
NBUF = 4
GROUPS = B_W // NBUF


def _body(xf_hbm, xt_hbm, wm_hbm, tt_hbm, out_hbm, idxf_v, idxt_v, rows_v, sems):
    wid = lax.axis_index("s") * NC + lax.axis_index("c")
    base = pl.multiple_of(wid * B_W, B_W)

    pltpu.sync_copy(xf_hbm.at[pl.ds(base, B_W)], idxf_v)
    pltpu.sync_copy(xt_hbm.at[pl.ds(base, B_W)], idxt_v)

    H0 = 104
    H1 = S - H0

    def _half(b):
        k, h = b // 2, b % 2
        return k, (0 if h == 0 else H0), (H0 if h == 0 else H1)

    def gather_a(g, b):
        k, off, sz = _half(b)
        return pltpu.make_async_copy(
            wm_hbm.at[idxf_v.at[g * NBUF + k, pl.ds(off, sz)]],
            rows_v.at[b, pl.ds(0, sz)], sems.at[b])

    def gather_b(g, b):
        k, off, sz = _half(b)
        return pltpu.make_async_copy(
            tt_hbm.at[idxt_v.at[g * NBUF + k, pl.ds(off, sz)]],
            rows_v.at[b, pl.ds(0, sz)], sems.at[b])

    def scatter_out(g, b):
        k, off, sz = _half(b)
        bi = wid * B_W + g * NBUF + k
        return pltpu.make_async_copy(rows_v.at[b, pl.ds(0, sz)],
                                     out_hbm.at[bi, pl.ds(off, sz),
                                                pl.ds(0, D)],
                                     sems.at[b])

    def group_body(g, carry):
        for b in range(2 * NBUF):
            @pl.when(g > 0)
            def _wait_prev():
                scatter_out(g - 1, b).wait()
            gather_a(g, b).start()
        for b in range(2 * NBUF):
            gather_a(g, b).wait()
            gather_b(g, b).start(add=True)
        for b in range(2 * NBUF):
            gather_b(g, b).wait()
            scatter_out(g, b).start()
        return carry

    lax.fori_loop(0, GROUPS, group_body, 0)
    for b in range(2 * NBUF):
        scatter_out(GROUPS - 1, b).wait()


@jax.jit
def _dual_embed(xf, xt, wm, tt):
    mesh = plsc.VectorSubcoreMesh(core_axis_name="c", subcore_axis_name="s")
    f = functools.partial(
        pl.kernel,
        out_type=jax.ShapeDtypeStruct((B, S, 128), jnp.float32),
        mesh=mesh,
        scratch_types=[
            pltpu.VMEM((B_W, S), jnp.int32),
            pltpu.VMEM((B_W, S), jnp.int32),
            pltpu.VMEM((2 * NBUF, 104, D), jnp.float32),
            pltpu.SemaphoreType.DMA((2 * NBUF,)),
        ],
        compiler_params=pltpu.CompilerParams(use_tc_tiling_on_sc=False),
    )(_body)
    return f(xf, xt, wm, tt)


def kernel(x_fix, x_train, word_mat, trained_table):
    out = _dual_embed(x_fix.astype(jnp.int32), x_train.astype(jnp.int32),
                      word_mat, trained_table)
    return out[:, :, :D]

# --- scband reference (transcript-rebuilt; emitter-appended) ---
"""Pipeline reference for scband-partially-trainable-embedding-27419071217857 (READ-ONLY COPY).

The authoritative reference and input builder live on the scoring server;
editing this copy changes nothing except your own understanding.
"""

import jax, jax.numpy as jnp
import numpy as np

VOCAB = 100000
D_MODEL = 64
BATCH = 4096
SEQ = 200

def setup_inputs(seed: int = 0) -> dict:
    key = jax.random.key(seed)
    k1, k2, k3, k4 = jax.random.split(key, 4)
    word_mat = jax.random.normal(k1, (VOCAB, D_MODEL), dtype=jnp.float32)
    trained_table = jax.random.normal(k2, (VOCAB, D_MODEL), dtype=jnp.float32)
    # padding_idx=0: trained embedding row 0 is zero
    trained_table = trained_table.at[0].set(0.0)
    x_fix = jax.random.randint(k3, (BATCH, SEQ), 0, VOCAB, dtype=jnp.int64 if jax.config.jax_enable_x64 else jnp.int32)
    x_train = jax.random.randint(k4, (BATCH, SEQ), 0, VOCAB, dtype=jnp.int64 if jax.config.jax_enable_x64 else jnp.int32)
    return {"x_fix": x_fix, "x_train": x_train, "word_mat": word_mat, "trained_table": trained_table}

def reference(x_fix, x_train, word_mat, trained_table):
    # fixed (frozen) embedding lookup
    x_fix_embedded = jnp.take(word_mat, x_fix, axis=0)
    # trainable embedding lookup (padding_idx row already zeroed)
    x_train_embedded = jnp.take(trained_table, x_train, axis=0)
    rv = x_fix_embedded + x_train_embedded
    # multiply_by_sqrt_d_model=False, so no scaling
    return rv

if __name__ == "__main__":
    import jax
    _d = setup_inputs()
    print(jax.jit(kernel)(*tuple(_d.values())))

</pallas_src>

<mosaic_0001>
#map = affine_map<(d0, d1) -> (0, 0)>
#map1 = affine_map<(d0, d1) -> (0, 0, 0)>
module attributes {stable_mosaic.version = 14 : i64} {
  func.func @_body(%arg0: i32, %arg1: i32, %arg2: memref<4096x200xi32, #tpu.memory_space<hbm>>, %arg3: memref<4096x200xi32, #tpu.memory_space<hbm>>, %arg4: memref<100000x64xf32, #tpu.memory_space<hbm>>, %arg5: memref<100000x64xf32, #tpu.memory_space<hbm>>, %arg6: memref<4096x200x128xf32, #tpu.memory_space<hbm>>, %arg7: memref<128x200xi32, #tpu.memory_space<vmem>>, %arg8: memref<128x200xi32, #tpu.memory_space<vmem>>, %arg9: memref<8x104x64xf32, #tpu.memory_space<vmem>>, %arg10: memref<8x!tpu.dma_semaphore, #tpu.memory_space<semaphore_mem>>) attributes {dimension_semantics = [#tpu.dimension_semantics<core_parallel>, #tpu.dimension_semantics<subcore_parallel>], iteration_bounds = array<i64: 2, 16>, scalar_prefetch = 0 : i64, scratch_operands = 4 : i64, tpu.core_type = #tpu.core_type<sc_vector_subcore>, window_params = [{transform_indices = #map}, {transform_indices = #map}, {transform_indices = #map}, {transform_indices = #map}, {transform_indices = #map1}]} {
    %mul3A = arith.constant 2 : i32
    %mul3A_0 = arith.muli %arg1, %mul3A : i32
    %add3A = arith.addi %mul3A_0, %arg0 : i32
    %mul3A_1 = arith.constant 128 : i32
    %mul3A_2 = arith.muli %add3A, %mul3A_1 : i32
    %multiple_of3A = tpu.assume_multiple %mul3A_2, 128 : i32
    "tpu.region"() ({
      %run_scoped3A = tpu.sem_alloc : memref<!tpu.dma_semaphore, #tpu.memory_space<semaphore_mem>>
      %dma_start3A = arith.constant 0 : i32
      %dma_start3A_215 = tpu.memref_slice %arg2[%multiple_of3A, %dma_start3A] : memref<4096x200xi32, #tpu.memory_space<hbm>> -> memref<128x200xi32, #tpu.memory_space<hbm>>
      %dma_start3A_216 = arith.constant 0 : i32
      %dma_start3A_217 = tpu.memref_slice %arg2[%multiple_of3A, %dma_start3A_216] : memref<4096x200xi32, #tpu.memory_space<hbm>> -> memref<128x200xi32, #tpu.memory_space<hbm>>
      tpu.enqueue_dma source(%dma_start3A_217 : memref<128x200xi32, #tpu.memory_space<hbm>>) target(%arg7 : memref<128x200xi32, #tpu.memory_space<vmem>>) target_semaphore(%run_scoped3A : memref<!tpu.dma_semaphore, #tpu.memory_space<semaphore_mem>>)
      %dma_wait3A_218 = arith.constant 0 : i32
      %dma_wait3A_219 = tpu.memref_slice %arg2[%multiple_of3A, %dma_wait3A_218] : memref<4096x200xi32, #tpu.memory_space<hbm>> -> memref<128x200xi32, #tpu.memory_space<hbm>>
      %dma_wait3A_220 = arith.constant 0 : i32
      %dma_wait3A_221 = tpu.memref_slice %arg2[%multiple_of3A, %dma_wait3A_220] : memref<4096x200xi32, #tpu.memory_space<hbm>> -> memref<128x200xi32, #tpu.memory_space<hbm>>
      tpu.wait_dma2 semaphore(%run_scoped3A : memref<!tpu.dma_semaphore, #tpu.memory_space<semaphore_mem>>) src(%dma_wait3A_221 : memref<128x200xi32, #tpu.memory_space<hbm>>) dst(%arg7 : memref<128x200xi32, #tpu.memory_space<vmem>>)
      tpu.yield
    }) : () -> ()
    "tpu.region"() ({
      %run_scoped3A = tpu.sem_alloc : memref<!tpu.dma_semaphore, #tpu.memory_space<semaphore_mem>>
      %dma_start3A = arith.constant 0 : i32
      %dma_start3A_215 = tpu.memref_slice %arg3[%multiple_of3A, %dma_start3A] : memref<4096x200xi32, #tpu.memory_space<hbm>> -> memref<128x200xi32, #tpu.memory_space<hbm>>
      %dma_start3A_216 = arith.constant 0 : i32
      %dma_start3A_217 = tpu.memref_slice %arg3[%multiple_of3A, %dma_start3A_216] : memref<4096x200xi32, #tpu.memory_space<hbm>> -> memref<128x200xi32, #tpu.memory_space<hbm>>
      tpu.enqueue_dma source(%dma_start3A_217 : memref<128x200xi32, #tpu.memory_space<hbm>>) target(%arg8 : memref<128x200xi32, #tpu.memory_space<vmem>>) target_semaphore(%run_scoped3A : memref<!tpu.dma_semaphore, #tpu.memory_space<semaphore_mem>>)
      %dma_wait3A_218 = arith.constant 0 : i32
      %dma_wait3A_219 = tpu.memref_slice %arg3[%multiple_of3A, %dma_wait3A_218] : memref<4096x200xi32, #tpu.memory_space<hbm>> -> memref<128x200xi32, #tpu.memory_space<hbm>>
      %dma_wait3A_220 = arith.constant 0 : i32
      %dma_wait3A_221 = tpu.memref_slice %arg3[%multiple_of3A, %dma_wait3A_220] : memref<4096x200xi32, #tpu.memory_space<hbm>> -> memref<128x200xi32, #tpu.memory_space<hbm>>
      tpu.wait_dma2 semaphore(%run_scoped3A : memref<!tpu.dma_semaphore, #tpu.memory_space<semaphore_mem>>) src(%dma_wait3A_221 : memref<128x200xi32, #tpu.memory_space<hbm>>) dst(%arg8 : memref<128x200xi32, #tpu.memory_space<vmem>>)
      tpu.yield
    }) : () -> ()
    %scan3A = arith.constant 0 : i32
    %scan3A_3 = arith.constant 0 : i32
    %scan3A_4 = arith.constant 32 : i32
    %scan3A_5 = arith.addi %scan3A_3, %scan3A_4 : i32
    %scan3A_6 = arith.constant 1 : i32
    scf.for %scan3A_215 = %scan3A_3 to %scan3A_5 step %scan3A_6  : i32 {
      %gt3A = arith.constant 0 : i32
      %gt3A_216 = arith.cmpi sgt, %scan3A_215, %gt3A : i32
      %convert_element_type3A = arith.extui %gt3A_216 : i1 to i32
      %cond3A = arith.constant 0 : i32
      %cond3A_217 = arith.cmpi ne, %convert_element_type3A, %cond3A : i32
      scf.if %cond3A_217 {
        %sub3A = arith.constant 1 : i32
        %sub3A_1044 = arith.subi %scan3A_215, %sub3A : i32
        %mul3A_1045 = arith.constant 128 : i32
        %mul3A_1046 = arith.muli %add3A, %mul3A_1045 : i32
        %mul3A_1047 = arith.constant 4 : i32
        %mul3A_1048 = arith.muli %sub3A_1044, %mul3A_1047 : i32
        %add3A_1049 = arith.addi %mul3A_1046, %mul3A_1048 : i32
        %add3A_1050 = arith.constant 0 : i32
        %add3A_1051 = arith.addi %add3A_1049, %add3A_1050 : i32
        %dma_wait3A_1052 = arith.constant 0 : i32
        %dma_wait3A_1053 = arith.constant 0 : i32
        %dma_wait3A_1054 = arith.constant 0 : i32
        %dma_wait3A_1055 = arith.constant 0 : i32
        %dma_wait3A_1056 = tpu.memref_slice %arg9[%dma_wait3A_1052, %dma_wait3A_1054, %dma_wait3A_1055] : memref<8x104x64xf32, #tpu.memory_space<vmem>> -> memref<1x104x64xf32, #tpu.memory_space<vmem>>
        %dma_wait3A_1057 = tpu.memref_squeeze %dma_wait3A_1056 : memref<1x104x64xf32, #tpu.memory_space<vmem>> -> memref<104x64xf32, #tpu.memory_space<vmem>>
        %dma_wait3A_1058 = arith.constant 0 : i32
        %dma_wait3A_1059 = arith.constant 0 : i32
        %dma_wait3A_1060 = tpu.memref_slice %arg6[%add3A_1051, %dma_wait3A_1058, %dma_wait3A_1059] : memref<4096x200x128xf32, #tpu.memory_space<hbm>> -> memref<1x104x64xf32, #tpu.memory_space<hbm>>
        %dma_wait3A_1061 = tpu.memref_squeeze %dma_wait3A_1060 : memref<1x104x64xf32, #tpu.memory_space<hbm>> -> memref<104x64xf32, #tpu.memory_space<hbm>>
        %dma_wait3A_1062 = tpu.memref_slice %arg10[%dma_wait3A_1053] : memref<8x!tpu.dma_semaphore, #tpu.memory_space<semaphore_mem>> -> memref<1x!tpu.dma_semaphore, #tpu.memory_space<semaphore_mem>>
        %dma_wait3A_1063 = tpu.memref_squeeze %dma_wait3A_1062 : memref<1x!tpu.dma_semaphore, #tpu.memory_space<semaphore_mem>> -> memref<!tpu.dma_semaphore, #tpu.memory_space<semaphore_mem>>
        %dma_wait3A_1064 = arith.constant 0 : i32
        %dma_wait3A_1065 = arith.constant 0 : i32
        %dma_wait3A_1066 = tpu.memref_slice %arg6[%add3A_1051, %dma_wait3A_1064, %dma_wait3A_1065] : memref<4096x200x128xf32, #tpu.memory_space<hbm>> -> memref<1x104x64xf32, #tpu.memory_space<hbm>>
        %dma_wait3A_1067 = tpu.memref_squeeze %dma_wait3A_1066 : memref<1x104x64xf32, #tpu.memory_space<hbm>> -> memref<104x64xf32, #tpu.memory_space<hbm>>
        %dma_wait3A_1068 = arith.constant 0 : i32
        %dma_wait3A_1069 = arith.constant 0 : i32
        %dma_wait3A_1070 = tpu.memref_slice %arg9[%dma_wait3A_1052, %dma_wait3A_1068, %dma_wait3A_1069] : memref<8x104x64xf32, #tpu.memory_space<vmem>> -> memref<1x104x64xf32, #tpu.memory_space<vmem>>
        %dma_wait3A_1071 = tpu.memref_squeeze %dma_wait3A_1070 : memref<1x104x64xf32, #tpu.memory_space<vmem>> -> memref<104x64xf32, #tpu.memory_space<vmem>>
        tpu.wait_dma2 semaphore(%dma_wait3A_1063 : memref<!tpu.dma_semaphore, #tpu.memory_space<semaphore_mem>>) src(%dma_wait3A_1071 : memref<104x64xf32, #tpu.memory_space<vmem>>) dst(%dma_wait3A_1067 : memref<104x64xf32, #tpu.memory_space<hbm>>)
      } else {
      }
      %mul3A_218 = arith.constant 4 : i32
      %mul3A_219 = arith.muli %scan3A_215, %mul3A_218 : i32
      %add3A_220 = arith.constant 0 : i32
      %add3A_221 = arith.addi %mul3A_219, %add3A_220 : i32
      %dma_start3A = arith.constant 0 : i32
      %dma_start3A_222 = arith.constant 0 : i32
      %dma_start3A_223 = arith.constant 0 : i32
      %dma_start3A_224 = arith.constant 0 : i32
      %dma_start3A_225 = tpu.memref_slice %arg9[%dma_start3A, %dma_start3A_223, %dma_start3A_224] : memref<8x104x64xf32, #tpu.memory_space<vmem>> -> memref<1x104x64xf32, #tpu.memory_space<vmem>>
      %dma_start3A_226 = tpu.memref_squeeze %dma_start3A_225 : memref<1x104x64xf32, #tpu.memory_space<vmem>> -> memref<104x64xf32, #tpu.memory_space<vmem>>
      %dma_start3A_227 = arith.constant 0 : i32
      %dma_start3A_228 = tpu.memref_slice %arg7[%add3A_221, %dma_start3A_227] : memref<128x200xi32, #tpu.memory_space<vmem>> -> memref<1x104xi32, #tpu.memory_space<vmem>>
      %dma_start3A_229 = tpu.memref_squeeze %dma_start3A_228 : memref<1x104xi32, #tpu.memory_space<vmem>> -> memref<104xi32, #tpu.memory_space<vmem>>
      %dma_start3A_230 = arith.constant 0 : i32
      %dma_start3A_231 = arith.constant 0 : i32
      %dma_start3A_232 = tpu.memref_slice %arg4[%dma_start3A_230, %dma_start3A_231] : memref<100000x64xf32, #tpu.memory_space<hbm>> -> memref<100000x64xf32, #tpu.memory_space<hbm>>
      %dma_start3A_233 = tpu.memref_slice %arg10[%dma_start3A_222] : memref<8x!tpu.dma_semaphore, #tpu.memory_space<semaphore_mem>> -> memref<1x!tpu.dma_semaphore, #tpu.memory_space<semaphore_mem>>
      %dma_start3A_234 = tpu.memref_squeeze %dma_start3A_233 : memref<1x!tpu.dma_semaphore, #tpu.memory_space<semaphore_mem>> -> memref<!tpu.dma_semaphore, #tpu.memory_space<semaphore_mem>>
      tpu.enqueue_indirect_dma source(%dma_start3A_232 : memref<100000x64xf32, #tpu.memory_space<hbm>>) target(%dma_start3A_226 : memref<104x64xf32, #tpu.memory_space<vmem>>) offsets(%dma_start3A_229 : memref<104xi32, #tpu.memory_space<vmem>>) semaphore(%dma_start3A_234 : memref<!tpu.dma_semaphore, #tpu.memory_space<semaphore_mem>>)
      %gt3A_235 = arith.constant 0 : i32
      %gt3A_236 = arith.cmpi sgt, %scan3A_215, %gt3A_235 : i32
      %convert_element_type3A_237 = arith.extui %gt3A_236 : i1 to i32
      %cond3A_238 = arith.constant 0 : i32
      %cond3A_239 = arith.cmpi ne, %convert_element_type3A_237, %cond3A_238 : i32
      scf.if %cond3A_239 {
        %sub3A = arith.constant 1 : i32
        %sub3A_1044 = arith.subi %scan3A_215, %sub3A : i32
        %mul3A_1045 = arith.constant 128 : i32
        %mul3A_1046 = arith.muli %add3A, %mul3A_1045 : i32
        %mul3A_1047 = arith.constant 4 : i32
        %mul3A_1048 = arith.muli %sub3A_1044, %mul3A_1047 : i32
        %add3A_1049 = arith.addi %mul3A_1046, %mul3A_1048 : i32
        %add3A_1050 = arith.constant 0 : i32
        %add3A_1051 = arith.addi %add3A_1049, %add3A_1050 : i32
        %dma_wait3A_1052 = arith.constant 1 : i32
        %dma_wait3A_1053 = arith.constant 1 : i32
        %dma_wait3A_1054 = arith.constant 0 : i32
        %dma_wait3A_1055 = arith.constant 0 : i32
        %dma_wait3A_1056 = tpu.memref_slice %arg9[%dma_wait3A_1052, %dma_wait3A_1054, %dma_wait3A_1055] : memref<8x104x64xf32, #tpu.memory_space<vmem>> -> memref<1x96x64xf32, #tpu.memory_space<vmem>>
        %dma_wait3A_1057 = tpu.memref_squeeze %dma_wait3A_1056 : memref<1x96x64xf32, #tpu.memory_space<vmem>> -> memref<96x64xf32, #tpu.memory_space<vmem>>
        %dma_wait3A_1058 = arith.constant 104 : i32
        %dma_wait3A_1059 = arith.constant 0 : i32
        %dma_wait3A_1060 = tpu.memref_slice %arg6[%add3A_1051, %dma_wait3A_1058, %dma_wait3A_1059] : memref<4096x200x128xf32, #tpu.memory_space<hbm>> -> memref<1x96x64xf32, #tpu.memory_space<hbm>>
        %dma_wait3A_1061 = tpu.memref_squeeze %dma_wait3A_1060 : memref<1x96x64xf32, #tpu.memory_space<hbm>> -> memref<96x64xf32, #tpu.memory_space<hbm>>
        %dma_wait3A_1062 = tpu.memref_slice %arg10[%dma_wait3A_1053] : memref<8x!tpu.dma_semaphore, #tpu.memory_space<semaphore_mem>> -> memref<1x!tpu.dma_semaphore, #tpu.memory_space<semaphore_mem>>
        %dma_wait3A_1063 = tpu.memref_squeeze %dma_wait3A_1062 : memref<1x!tpu.dma_semaphore, #tpu.memory_space<semaphore_mem>> -> memref<!tpu.dma_semaphore, #tpu.memory_space<semaphore_mem>>
        %dma_wait3A_1064 = arith.constant 104 : i32
        %dma_wait3A_1065 = arith.constant 0 : i32
        %dma_wait3A_1066 = tpu.memref_slice %arg6[%add3A_1051, %dma_wait3A_1064, %dma_wait3A_1065] : memref<4096x200x128xf32, #tpu.memory_space<hbm>> -> memref<1x96x64xf32, #tpu.memory_space<hbm>>
        %dma_wait3A_1067 = tpu.memref_squeeze %dma_wait3A_1066 : memref<1x96x64xf32, #tpu.memory_space<hbm>> -> memref<96x64xf32, #tpu.memory_space<hbm>>
        %dma_wait3A_1068 = arith.constant 0 : i32
        %dma_wait3A_1069 = arith.constant 0 : i32
        %dma_wait3A_1070 = tpu.memref_slice %arg9[%dma_wait3A_1052, %dma_wait3A_1068, %dma_wait3A_1069] : memref<8x104x64xf32, #tpu.memory_space<vmem>> -> memref<1x96x64xf32, #tpu.memory_space<vmem>>
        %dma_wait3A_1071 = tpu.memref_squeeze %dma_wait3A_1070 : memref<1x96x64xf32, #tpu.memory_space<vmem>> -> memref<96x64xf32, #tpu.memory_space<vmem>>
        tpu.wait_dma2 semaphore(%dma_wait3A_1063 : memref<!tpu.dma_semaphore, #tpu.memory_space<semaphore_mem>>) src(%dma_wait3A_1071 : memref<96x64xf32, #tpu.memory_space<vmem>>) dst(%dma_wait3A_1067 : memref<96x64xf32, #tpu.memory_space<hbm>>)
      } else {
      }
      %mul3A_240 = arith.constant 4 : i32
      %mul3A_241 = arith.muli %scan3A_215, %mul3A_240 : i32
      %add3A_242 = arith.constant 0 : i32
      %add3A_243 = arith.addi %mul3A_241, %add3A_242 : i32
      %dma_start3A_244 = arith.constant 1 : i32
      %dma_start3A_245 = arith.constant 1 : i32
      %dma_start3A_246 = arith.constant 0 : i32
      %dma_start3A_247 = arith.constant 0 : i32
      %dma_start3A_248 = tpu.memref_slice %arg9[%dma_start3A_244, %dma_start3A_246, %dma_start3A_247] : memref<8x104x64xf32, #tpu.memory_space<vmem>> -> memref<1x96x64xf32, #tpu.memory_space<vmem>>
      %dma_start3A_249 = tpu.memref_squeeze %dma_start3A_248 : memref<1x96x64xf32, #tpu.memory_space<vmem>> -> memref<96x64xf32, #tpu.memory_space<vmem>>
      %dma_start3A_250 = arith.constant 104 : i32
      %dma_start3A_251 = tpu.memref_slice %arg7[%add3A_243, %dma_start3A_250] : memref<128x200xi32, #tpu.memory_space<vmem>> -> memref<1x96xi32, #tpu.memory_space<vmem>>
      %dma_start3A_252 = tpu.memref_squeeze %dma_start3A_251 : memref<1x96xi32, #tpu.memory_space<vmem>> -> memref<96xi32, #tpu.memory_space<vmem>>
      %dma_start3A_253 = arith.constant 0 : i32
      %dma_start3A_254 = arith.constant 0 : i32
      %dma_start3A_255 = tpu.memref_slice %arg4[%dma_start3A_253, %dma_start3A_254] : memref<100000x64xf32, #tpu.memory_space<hbm>> -> memref<100000x64xf32, #tpu.memory_space<hbm>>
      %dma_start3A_256 = tpu.memref_slice %arg10[%dma_start3A_245] : memref<8x!tpu.dma_semaphore, #tpu.memory_space<semaphore_mem>> -> memref<1x!tpu.dma_semaphore, #tpu.memory_space<semaphore_mem>>
      %dma_start3A_257 = tpu.memref_squeeze %dma_start3A_256 : memref<1x!tpu.dma_semaphore, #tpu.memory_space<semaphore_mem>> -> memref<!tpu.dma_semaphore, #tpu.memory_space<semaphore_mem>>
      tpu.enqueue_indirect_dma source(%dma_start3A_255 : memref<100000x64xf32, #tpu.memory_space<hbm>>) target(%dma_start3A_249 : memref<96x64xf32, #tpu.memory_space<vmem>>) offsets(%dma_start3A_252 : memref<96xi32, #tpu.memory_space<vmem>>) semaphore(%dma_start3A_257 : memref<!tpu.dma_semaphore, #tpu.memory_space<semaphore_mem>>)
      %gt3A_258 = arith.constant 0 : i32
      %gt3A_259 = arith.cmpi sgt, %scan3A_215, %gt3A_258 : i32
      %convert_element_type3A_260 = arith.extui %gt3A_259 : i1 to i32
      %cond3A_261 = arith.constant 0 : i32
      %cond3A_262 = arith.cmpi ne, %convert_element_type3A_260, %cond3A_261 : i32
      scf.if %cond3A_262 {
        %sub3A = arith.constant 1 : i32
        %sub3A_1044 = arith.subi %scan3A_215, %sub3A : i32
        %mul3A_1045 = arith.constant 128 : i32
        %mul3A_1046 = arith.muli %add3A, %mul3A_1045 : i32
        %mul3A_1047 = arith.constant 4 : i32
        %mul3A_1048 = arith.muli %sub3A_1044, %mul3A_1047 : i32
        %add3A_1049 = arith.addi %mul3A_1046, %mul3A_1048 : i32
        %add3A_1050 = arith.constant 1 : i32
        %add3A_1051 = arith.addi %add3A_1049, %add3A_1050 : i32
        %dma_wait3A_1052 = arith.constant 2 : i32
        %dma_wait3A_1053 = arith.constant 2 : i32
        %dma_wait3A_1054 = arith.constant 0 : i32
        %dma_wait3A_1055 = arith.constant 0 : i32
        %dma_wait3A_1056 = tpu.memref_slice %arg9[%dma_wait3A_1052, %dma_wait3A_1054, %dma_wait3A_1055] : memref<8x104x64xf32, #tpu.memory_space<vmem>> -> memref<1x104x64xf32, #tpu.memory_space<vmem>>
        %dma_wait3A_1057 = tpu.memref_squeeze %dma_wait3A_1056 : memref<1x104x64xf32, #tpu.memory_space<vmem>> -> memref<104x64xf32, #tpu.memory_space<vmem>>
        %dma_wait3A_1058 = arith.constant 0 : i32
        %dma_wait3A_1059 = arith.constant 0 : i32
        %dma_wait3A_1060 = tpu.memref_slice %arg6[%add3A_1051, %dma_wait3A_1058, %dma_wait3A_1059] : memref<4096x200x128xf32, #tpu.memory_space<hbm>> -> memref<1x104x64xf32, #tpu.memory_space<hbm>>
        %dma_wait3A_1061 = tpu.memref_squeeze %dma_wait3A_1060 : memref<1x104x64xf32, #tpu.memory_space<hbm>> -> memref<104x64xf32, #tpu.memory_space<hbm>>
        %dma_wait3A_1062 = tpu.memref_slice %arg10[%dma_wait3A_1053] : memref<8x!tpu.dma_semaphore, #tpu.memory_space<semaphore_mem>> -> memref<1x!tpu.dma_semaphore, #tpu.memory_space<semaphore_mem>>
        %dma_wait3A_1063 = tpu.memref_squeeze %dma_wait3A_1062 : memref<1x!tpu.dma_semaphore, #tpu.memory_space<semaphore_mem>> -> memref<!tpu.dma_semaphore, #tpu.memory_space<semaphore_mem>>
        %dma_wait3A_1064 = arith.constant 0 : i32
        %dma_wait3A_1065 = arith.constant 0 : i32
        %dma_wait3A_1066 = tpu.memref_slice %arg6[%add3A_1051, %dma_wait3A_1064, %dma_wait3A_1065] : memref<4096x200x128xf32, #tpu.memory_space<hbm>> -> memref<1x104x64xf32, #tpu.memory_space<hbm>>
        %dma_wait3A_1067 = tpu.memref_squeeze %dma_wait3A_1066 : memref<1x104x64xf32, #tpu.memory_space<hbm>> -> memref<104x64xf32, #tpu.memory_space<hbm>>
        %dma_wait3A_1068 = arith.constant 0 : i32
        %dma_wait3A_1069 = arith.constant 0 : i32
        %dma_wait3A_1070 = tpu.memref_slice %arg9[%dma_wait3A_1052, %dma_wait3A_1068, %dma_wait3A_1069] : memref<8x104x64xf32, #tpu.memory_space<vmem>> -> memref<1x104x64xf32, #tpu.memory_space<vmem>>
        %dma_wait3A_1071 = tpu.memref_squeeze %dma_wait3A_1070 : memref<1x104x64xf32, #tpu.memory_space<vmem>> -> memref<104x64xf32, #tpu.memory_space<vmem>>
        tpu.wait_dma2 semaphore(%dma_wait3A_1063 : memref<!tpu.dma_semaphore, #tpu.memory_space<semaphore_mem>>) src(%dma_wait3A_1071 : memref<104x64xf32, #tpu.memory_space<vmem>>) dst(%dma_wait3A_1067 : memref<104x64xf32, #tpu.memory_space<hbm>>)
      } else {
      }
      %mul3A_263 = arith.constant 4 : i32
      %mul3A_264 = arith.muli %scan3A_215, %mul3A_263 : i32
      %add3A_265 = arith.constant 1 : i32
      %add3A_266 = arith.addi %mul3A_264, %add3A_265 : i32
      %dma_start3A_267 = arith.constant 2 : i32
      %dma_start3A_268 = arith.constant 2 : i32
      %dma_start3A_269 = arith.constant 0 : i32
      %dma_start3A_270 = arith.constant 0 : i32
      %dma_start3A_271 = tpu.memref_slice %arg9[%dma_start3A_267, %dma_start3A_269, %dma_start3A_270] : memref<8x104x64xf32, #tpu.memory_space<vmem>> -> memref<1x104x64xf32, #tpu.memory_space<vmem>>
      %dma_start3A_272 = tpu.memref_squeeze %dma_start3A_271 : memref<1x104x64xf32, #tpu.memory_space<vmem>> -> memref<104x64xf32, #tpu.memory_space<vmem>>
      %dma_start3A_273 = arith.constant 0 : i32
      %dma_start3A_274 = tpu.memref_slice %arg7[%add3A_266, %dma_start3A_273] : memref<128x200xi32, #tpu.memory_space<vmem>> -> memref<1x104xi32, #tpu.memory_space<vmem>>
      %dma_start3A_275 = tpu.memref_squeeze %dma_start3A_274 : memref<1x104xi32, #tpu.memory_space<vmem>> -> memref<104xi32, #tpu.memory_space<vmem>>
      %dma_start3A_276 = arith.constant 0 : i32
      %dma_start3A_277 = arith.constant 0 : i32
      %dma_start3A_278 = tpu.memref_slice %arg4[%dma_start3A_276, %dma_start3A_277] : memref<100000x64xf32, #tpu.memory_space<hbm>> -> memref<100000x64xf32, #tpu.memory_space<hbm>>
      %dma_start3A_279 = tpu.memref_slice %arg10[%dma_start3A_268] : memref<8x!tpu.dma_semaphore, #tpu.memory_space<semaphore_mem>> -> memref<1x!tpu.dma_semaphore, #tpu.memory_space<semaphore_mem>>
      %dma_start3A_280 = tpu.memref_squeeze %dma_start3A_279 : memref<1x!tpu.dma_semaphore, #tpu.memory_space<semaphore_mem>> -> memref<!tpu.dma_semaphore, #tpu.memory_space<semaphore_mem>>
      tpu.enqueue_indirect_dma source(%dma_start3A_278 : memref<100000x64xf32, #tpu.memory_space<hbm>>) target(%dma_start3A_272 : memref<104x64xf32, #tpu.memory_space<vmem>>) offsets(%dma_start3A_275 : memref<104xi32, #tpu.memory_space<vmem>>) semaphore(%dma_start3A_280 : memref<!tpu.dma_semaphore, #tpu.memory_space<semaphore_mem>>)
      %gt3A_281 = arith.constant 0 : i32
      %gt3A_282 = arith.cmpi sgt, %scan3A_215, %gt3A_281 : i32
      %convert_element_type3A_283 = arith.extui %gt3A_282 : i1 to i32
      %cond3A_284 = arith.constant 0 : i32
      %cond3A_285 = arith.cmpi ne, %convert_element_type3A_283, %cond3A_284 : i32
      scf.if %cond3A_285 {
        %sub3A = arith.constant 1 : i32
        %sub3A_1044 = arith.subi %scan3A_215, %sub3A : i32
        %mul3A_1045 = arith.constant 128 : i32
        %mul3A_1046 = arith.muli %add3A, %mul3A_1045 : i32
        %mul3A_1047 = arith.constant 4 : i32
        %mul3A_1048 = arith.muli %sub3A_1044, %mul3A_1047 : i32
        %add3A_1049 = arith.addi %mul3A_1046, %mul3A_1048 : i32
        %add3A_1050 = arith.constant 1 : i32
        %add3A_1051 = arith.addi %add3A_1049, %add3A_1050 : i32
        %dma_wait3A_1052 = arith.constant 3 : i32
        %dma_wait3A_1053 = arith.constant 3 : i32
        %dma_wait3A_1054 = arith.constant 0 : i32
        %dma_wait3A_1055 = arith.constant 0 : i32
        %dma_wait3A_1056 = tpu.memref_slice %arg9[%dma_wait3A_1052, %dma_wait3A_1054, %dma_wait3A_1055] : memref<8x104x64xf32, #tpu.memory_space<vmem>> -> memref<1x96x64xf32, #tpu.memory_space<vmem>>
        %dma_wait3A_1057 = tpu.memref_squeeze %dma_wait3A_1056 : memref<1x96x64xf32, #tpu.memory_space<vmem>> -> memref<96x64xf32, #tpu.memory_space<vmem>>
        %dma_wait3A_1058 = arith.constant 104 : i32
        %dma_wait3A_1059 = arith.constant 0 : i32
        %dma_wait3A_1060 = tpu.memref_slice %arg6[%add3A_1051, %dma_wait3A_1058, %dma_wait3A_1059] : memref<4096x200x128xf32, #tpu.memory_space<hbm>> -> memref<1x96x64xf32, #tpu.memory_space<hbm>>
        %dma_wait3A_1061 = tpu.memref_squeeze %dma_wait3A_1060 : memref<1x96x64xf32, #tpu.memory_space<hbm>> -> memref<96x64xf32, #tpu.memory_space<hbm>>
        %dma_wait3A_1062 = tpu.memref_slice %arg10[%dma_wait3A_1053] : memref<8x!tpu.dma_semaphore, #tpu.memory_space<semaphore_mem>> -> memref<1x!tpu.dma_semaphore, #tpu.memory_space<semaphore_mem>>
        %dma_wait3A_1063 = tpu.memref_squeeze %dma_wait3A_1062 : memref<1x!tpu.dma_semaphore, #tpu.memory_space<semaphore_mem>> -> memref<!tpu.dma_semaphore, #tpu.memory_space<semaphore_mem>>
        %dma_wait3A_1064 = arith.constant 104 : i32
        %dma_wait3A_1065 = arith.constant 0 : i32
        %dma_wait3A_1066 = tpu.memref_slice %arg6[%add3A_1051, %dma_wait3A_1064, %dma_wait3A_1065] : memref<4096x200x128xf32, #tpu.memory_space<hbm>> -> memref<1x96x64xf32, #tpu.memory_space<hbm>>
        %dma_wait3A_1067 = tpu.memref_squeeze %dma_wait3A_1066 : memref<1x96x64xf32, #tpu.memory_space<hbm>> -> memref<96x64xf32, #tpu.memory_space<hbm>>
        %dma_wait3A_1068 = arith.constant 0 : i32
        %dma_wait3A_1069 = arith.constant 0 : i32
        %dma_wait3A_1070 = tpu.memref_slice %arg9[%dma_wait3A_1052, %dma_wait3A_1068, %dma_wait3A_1069] : memref<8x104x64xf32, #tpu.memory_space<vmem>> -> memref<1x96x64xf32, #tpu.memory_space<vmem>>
        %dma_wait3A_1071 = tpu.memref_squeeze %dma_wait3A_1070 : memref<1x96x64xf32, #tpu.memory_space<vmem>> -> memref<96x64xf32, #tpu.memory_space<vmem>>
        tpu.wait_dma2 semaphore(%dma_wait3A_1063 : memref<!tpu.dma_semaphore, #tpu.memory_space<semaphore_mem>>) src(%dma_wait3A_1071 : memref<96x64xf32, #tpu.memory_space<vmem>>) dst(%dma_wait3A_1067 : memref<96x64xf32, #tpu.memory_space<hbm>>)
      } else {
      }
      %mul3A_286 = arith.constant 4 : i32
      %mul3A_287 = arith.muli %scan3A_215, %mul3A_286 : i32
      %add3A_288 = arith.constant 1 : i32
      %add3A_289 = arith.addi %mul3A_287, %add3A_288 : i32
      %dma_start3A_290 = arith.constant 3 : i32
      %dma_start3A_291 = arith.constant 3 : i32
      %dma_start3A_292 = arith.constant 0 : i32
      %dma_start3A_293 = arith.constant 0 : i32
      %dma_start3A_294 = tpu.memref_slice %arg9[%dma_start3A_290, %dma_start3A_292, %dma_start3A_293] : memref<8x104x64xf32, #tpu.memory_space<vmem>> -> memref<1x96x64xf32, #tpu.memory_space<vmem>>
      %dma_start3A_295 = tpu.memref_squeeze %dma_start3A_294 : memref<1x96x64xf32, #tpu.memory_space<vmem>> -> memref<96x64xf32, #tpu.memory_space<vmem>>
      %dma_start3A_296 = arith.constant 104 : i32
      %dma_start3A_297 = tpu.memref_slice %arg7[%add3A_289, %dma_start3A_296] : memref<128x200xi32, #tpu.memory_space<vmem>> -> memref<1x96xi32, #tpu.memory_space<vmem>>
      %dma_start3A_298 = tpu.memref_squeeze %dma_start3A_297 : memref<1x96xi32, #tpu.memory_space<vmem>> -> memref<96xi32, #tpu.memory_space<vmem>>
      %dma_start3A_299 = arith.constant 0 : i32
      %dma_start3A_300 = arith.constant 0 : i32
      %dma_start3A_301 = tpu.memref_slice %arg4[%dma_start3A_299, %dma_start3A_300] : memref<100000x64xf32, #tpu.memory_space<hbm>> -> memref<100000x64xf32, #tpu.memory_space<hbm>>
      %dma_start3A_302 = tpu.memref_slice %arg10[%dma_start3A_291] : memref<8x!tpu.dma_semaphore, #tpu.memory_space<semaphore_mem>> -> memref<1x!tpu.dma_semaphore, #tpu.memory_space<semaphore_mem>>
      %dma_start3A_303 = tpu.memref_squeeze %dma_start3A_302 : memref<1x!tpu.dma_semaphore, #tpu.memory_space<semaphore_mem>> -> memref<!tpu.dma_semaphore, #tpu.memory_space<semaphore_mem>>
      tpu.enqueue_indirect_dma source(%dma_start3A_301 : memref<100000x64xf32, #tpu.memory_space<hbm>>) target(%dma_start3A_295 : memref<96x64xf32, #tpu.memory_space<vmem>>) offsets(%dma_start3A_298 : memref<96xi32, #tpu.memory_space<vmem>>) semaphore(%dma_start3A_303 : memref<!tpu.dma_semaphore, #tpu.memory_space<semaphore_mem>>)
      %gt3A_304 = arith.constant 0 : i32
      %gt3A_305 = arith.cmpi sgt, %scan3A_215, %gt3A_304 : i32
      %convert_element_type3A_306 = arith.extui %gt3A_305 : i1 to i32
      %cond3A_307 = arith.constant 0 : i32
      %cond3A_308 = arith.cmpi ne, %convert_element_type3A_306, %cond3A_307 : i32
      scf.if %cond3A_308 {
        %sub3A = arith.constant 1 : i32
        %sub3A_1044 = arith.subi %scan3A_215, %sub3A : i32
        %mul3A_1045 = arith.constant 128 : i32
        %mul3A_1046 = arith.muli %add3A, %mul3A_1045 : i32
        %mul3A_1047 = arith.constant 4 : i32
        %mul3A_1048 = arith.muli %sub3A_1044, %mul3A_1047 : i32
        %add3A_1049 = arith.addi %mul3A_1046, %mul3A_1048 : i32
        %add3A_1050 = arith.constant 2 : i32
        %add3A_1051 = arith.addi %add3A_1049, %add3A_1050 : i32
        %dma_wait3A_1052 = arith.constant 4 : i32
        %dma_wait3A_1053 = arith.constant 4 : i32
        %dma_wait3A_1054 = arith.constant 0 : i32
        %dma_wait3A_1055 = arith.constant 0 : i32
        %dma_wait3A_1056 = tpu.memref_slice %arg9[%dma_wait3A_1052, %dma_wait3A_1054, %dma_wait3A_1055] : memref<8x104x64xf32, #tpu.memory_space<vmem>> -> memref<1x104x64xf32, #tpu.memory_space<vmem>>
        %dma_wait3A_1057 = tpu.memref_squeeze %dma_wait3A_1056 : memref<1x104x64xf32, #tpu.memory_space<vmem>> -> memref<104x64xf32, #tpu.memory_space<vmem>>
        %dma_wait3A_1058 = arith.constant 0 : i32
        %dma_wait3A_1059 = arith.constant 0 : i32
        %dma_wait3A_1060 = tpu.memref_slice %arg6[%add3A_1051, %dma_wait3A_1058, %dma_wait3A_1059] : memref<4096x200x128xf32, #tpu.memory_space<hbm>> -> memref<1x104x64xf32, #tpu.memory_space<hbm>>
        %dma_wait3A_1061 = tpu.memref_squeeze %dma_wait3A_1060 : memref<1x104x64xf32, #tpu.memory_space<hbm>> -> memref<104x64xf32, #tpu.memory_space<hbm>>
        %dma_wait3A_1062 = tpu.memref_slice %arg10[%dma_wait3A_1053] : memref<8x!tpu.dma_semaphore, #tpu.memory_space<semaphore_mem>> -> memref<1x!tpu.dma_semaphore, #tpu.memory_space<semaphore_mem>>
        %dma_wait3A_1063 = tpu.memref_squeeze %dma_wait3A_1062 : memref<1x!tpu.dma_semaphore, #tpu.memory_space<semaphore_mem>> -> memref<!tpu.dma_semaphore, #tpu.memory_space<semaphore_mem>>
        %dma_wait3A_1064 = arith.constant 0 : i32
        %dma_wait3A_1065 = arith.constant 0 : i32
        %dma_wait3A_1066 = tpu.memref_slice %arg6[%add3A_1051, %dma_wait3A_1064, %dma_wait3A_1065] : memref<4096x200x128xf32, #tpu.memory_space<hbm>> -> memref<1x104x64xf32, #tpu.memory_space<hbm>>
        %dma_wait3A_1067 = tpu.memref_squeeze %dma_wait3A_1066 : memref<1x104x64xf32, #tpu.memory_space<hbm>> -> memref<104x64xf32, #tpu.memory_space<hbm>>
        %dma_wait3A_1068 = arith.constant 0 : i32
        %dma_wait3A_1069 = arith.constant 0 : i32
        %dma_wait3A_1070 = tpu.memref_slice %arg9[%dma_wait3A_1052, %dma_wait3A_1068, %dma_wait3A_1069] : memref<8x104x64xf32, #tpu.memory_space<vmem>> -> memref<1x104x64xf32, #tpu.memory_space<vmem>>
        %dma_wait3A_1071 = tpu.memref_squeeze %dma_wait3A_1070 : memref<1x104x64xf32, #tpu.memory_space<vmem>> -> memref<104x64xf32, #tpu.memory_space<vmem>>
        tpu.wait_dma2 semaphore(%dma_wait3A_1063 : memref<!tpu.dma_semaphore, #tpu.memory_space<semaphore_mem>>) src(%dma_wait3A_1071 : memref<104x64xf32, #tpu.memory_space<vmem>>) dst(%dma_wait3A_1067 : memref<104x64xf32, #tpu.memory_space<hbm>>)
      } else {
      }
      %mul3A_309 = arith.constant 4 : i32
      %mul3A_310 = arith.muli %scan3A_215, %mul3A_309 : i32
      %add3A_311 = arith.constant 2 : i32
      %add3A_312 = arith.addi %mul3A_310, %add3A_311 : i32
      %dma_start3A_313 = arith.constant 4 : i32
      %dma_start3A_314 = arith.constant 4 : i32
      %dma_start3A_315 = arith.constant 0 : i32
      %dma_start3A_316 = arith.constant 0 : i32
      %dma_start3A_317 = tpu.memref_slice %arg9[%dma_start3A_313, %dma_start3A_315, %dma_start3A_316] : memref<8x104x64xf32, #tpu.memory_space<vmem>> -> memref<1x104x64xf32, #tpu.memory_space<vmem>>
      %dma_start3A_318 = tpu.memref_squeeze %dma_start3A_317 : memref<1x104x64xf32, #tpu.memory_space<vmem>> -> memref<104x64xf32, #tpu.memory_space<vmem>>
      %dma_start3A_319 = arith.constant 0 : i32
      %dma_start3A_320 = tpu.memref_slice %arg7[%add3A_312, %dma_start3A_319] : memref<128x200xi32, #tpu.memory_space<vmem>> -> memref<1x104xi32, #tpu.memory_space<vmem>>
      %dma_start3A_321 = tpu.memref_squeeze %dma_start3A_320 : memref<1x104xi32, #tpu.memory_space<vmem>> -> memref<104xi32, #tpu.memory_space<vmem>>
      %dma_start3A_322 = arith.constant 0 : i32
      %dma_start3A_323 = arith.constant 0 : i32
      %dma_start3A_324 = tpu.memref_slice %arg4[%dma_start3A_322, %dma_start3A_323] : memref<100000x64xf32, #tpu.memory_space<hbm>> -> memref<100000x64xf32, #tpu.memory_space<hbm>>
      %dma_start3A_325 = tpu.memref_slice %arg10[%dma_start3A_314] : memref<8x!tpu.dma_semaphore, #tpu.memory_space<semaphore_mem>> -> memref<1x!tpu.dma_semaphore, #tpu.memory_space<semaphore_mem>>
      %dma_start3A_326 = tpu.memref_squeeze %dma_start3A_325 : memref<1x!tpu.dma_semaphore, #tpu.memory_space<semaphore_mem>> -> memref<!tpu.dma_semaphore, #tpu.memory_space<semaphore_mem>>
      tpu.enqueue_indirect_dma source(%dma_start3A_324 : memref<100000x64xf32, #tpu.memory_space<hbm>>) target(%dma_start3A_318 : memref<104x64xf32, #tpu.memory_space<vmem>>) offsets(%dma_start3A_321 : memref<104xi32, #tpu.memory_space<vmem>>) semaphore(%dma_start3A_326 : memref<!tpu.dma_semaphore, #tpu.memory_space<semaphore_mem>>)
      %gt3A_327 = arith.constant 0 : i32
      %gt3A_328 = arith.cmpi sgt, %scan3A_215, %gt3A_327 : i32
      %convert_element_type3A_329 = arith.extui %gt3A_328 : i1 to i32
      %cond3A_330 = arith.constant 0 : i32
      %cond3A_331 = arith.cmpi ne, %convert_element_type3A_329, %cond3A_330 : i32
      scf.if %cond3A_331 {
        %sub3A = arith.constant 1 : i32
        %sub3A_1044 = arith.subi %scan3A_215, %sub3A : i32
        %mul3A_1045 = arith.constant 128 : i32
        %mul3A_1046 = arith.muli %add3A, %mul3A_1045 : i32
        %mul3A_1047 = arith.constant 4 : i32
        %mul3A_1048 = arith.muli %sub3A_1044, %mul3A_1047 : i32
        %add3A_1049 = arith.addi %mul3A_1046, %mul3A_1048 : i32
        %add3A_1050 = arith.constant 2 : i32
        %add3A_1051 = arith.addi %add3A_1049, %add3A_1050 : i32
        %dma_wait3A_1052 = arith.constant 5 : i32
        %dma_wait3A_1053 = arith.constant 5 : i32
        %dma_wait3A_1054 = arith.constant 0 : i32
        %dma_wait3A_1055 = arith.constant 0 : i32
        %dma_wait3A_1056 = tpu.memref_slice %arg9[%dma_wait3A_1052, %dma_wait3A_1054, %dma_wait3A_1055] : memref<8x104x64xf32, #tpu.memory_space<vmem>> -> memref<1x96x64xf32, #tpu.memory_space<vmem>>
        %dma_wait3A_1057 = tpu.memref_squeeze %dma_wait3A_1056 : memref<1x96x64xf32, #tpu.memory_space<vmem>> -> memref<96x64xf32, #tpu.memory_space<vmem>>
        %dma_wait3A_1058 = arith.constant 104 : i32
        %dma_wait3A_1059 = arith.constant 0 : i32
        %dma_wait3A_1060 = tpu.memref_slice %arg6[%add3A_1051, %dma_wait3A_1058, %dma_wait3A_1059] : memref<4096x200x128xf32, #tpu.memory_space<hbm>> -> memref<1x96x64xf32, #tpu.memory_space<hbm>>
        %dma_wait3A_1061 = tpu.memref_squeeze %dma_wait3A_1060 : memref<1x96x64xf32, #tpu.memory_space<hbm>> -> memref<96x64xf32, #tpu.memory_space<hbm>>
        %dma_wait3A_1062 = tpu.memref_slice %arg10[%dma_wait3A_1053] : memref<8x!tpu.dma_semaphore, #tpu.memory_space<semaphore_mem>> -> memref<1x!tpu.dma_semaphore, #tpu.memory_space<semaphore_mem>>
        %dma_wait3A_1063 = tpu.memref_squeeze %dma_wait3A_1062 : memref<1x!tpu.dma_semaphore, #tpu.memory_space<semaphore_mem>> -> memref<!tpu.dma_semaphore, #tpu.memory_space<semaphore_mem>>
        %dma_wait3A_1064 = arith.constant 104 : i32
        %dma_wait3A_1065 = arith.constant 0 : i32
        %dma_wait3A_1066 = tpu.memref_slice %arg6[%add3A_1051, %dma_wait3A_1064, %dma_wait3A_1065] : memref<4096x200x128xf32, #tpu.memory_space<hbm>> -> memref<1x96x64xf32, #tpu.memory_space<hbm>>
        %dma_wait3A_1067 = tpu.memref_squeeze %dma_wait3A_1066 : memref<1x96x64xf32, #tpu.memory_space<hbm>> -> memref<96x64xf32, #tpu.memory_space<hbm>>
        %dma_wait3A_1068 = arith.constant 0 : i32
        %dma_wait3A_1069 = arith.constant 0 : i32
        %dma_wait3A_1070 = tpu.memref_slice %arg9[%dma_wait3A_1052, %dma_wait3A_1068, %dma_wait3A_1069] : memref<8x104x64xf32, #tpu.memory_space<vmem>> -> memref<1x96x64xf32, #tpu.memory_space<vmem>>
        %dma_wait3A_1071 = tpu.memref_squeeze %dma_wait3A_1070 : memref<1x96x64xf32, #tpu.memory_space<vmem>> -> memref<96x64xf32, #tpu.memory_space<vmem>>
        tpu.wait_dma2 semaphore(%dma_wait3A_1063 : memref<!tpu.dma_semaphore, #tpu.memory_space<semaphore_mem>>) src(%dma_wait3A_1071 : memref<96x64xf32, #tpu.memory_space<vmem>>) dst(%dma_wait3A_1067 : memref<96x64xf32, #tpu.memory_space<hbm>>)
      } else {
      }
      %mul3A_332 = arith.constant 4 : i32
      %mul3A_333 = arith.muli %scan3A_215, %mul3A_332 : i32
      %add3A_334 = arith.constant 2 : i32
      %add3A_335 = arith.addi %mul3A_333, %add3A_334 : i32
      %dma_start3A_336 = arith.constant 5 : i32
      %dma_start3A_337 = arith.constant 5 : i32
      %dma_start3A_338 = arith.constant 0 : i32
      %dma_start3A_339 = arith.constant 0 : i32
      %dma_start3A_340 = tpu.memref_slice %arg9[%dma_start3A_336, %dma_start3A_338, %dma_start3A_339] : memref<8x104x64xf32, #tpu.memory_space<vmem>> -> memref<1x96x64xf32, #tpu.memory_space<vmem>>
      %dma_start3A_341 = tpu.memref_squeeze %dma_start3A_340 : memref<1x96x64xf32, #tpu.memory_space<vmem>> -> memref<96x64xf32, #tpu.memory_space<vmem>>
      %dma_start3A_342 = arith.constant 104 : i32
      %dma_start3A_343 = tpu.memref_slice %arg7[%add3A_335, %dma_start3A_342] : memref<128x200xi32, #tpu.memory_space<vmem>> -> memref<1x96xi32, #tpu.memory_space<vmem>>
      %dma_start3A_344 = tpu.memref_squeeze %dma_start3A_343 : memref<1x96xi32, #tpu.memory_space<vmem>> -> memref<96xi32, #tpu.memory_space<vmem>>
      %dma_start3A_345 = arith.constant 0 : i32
      %dma_start3A_346 = arith.constant 0 : i32
      %dma_start3A_347 = tpu.memref_slice %arg4[%dma_start3A_345, %dma_start3A_346] : memref<100000x64xf32, #tpu.memory_space<hbm>> -> memref<100000x64xf32, #tpu.memory_space<hbm>>
      %dma_start3A_348 = tpu.memref_slice %arg10[%dma_start3A_337] : memref<8x!tpu.dma_semaphore, #tpu.memory_space<semaphore_mem>> -> memref<1x!tpu.dma_semaphore, #tpu.memory_space<semaphore_mem>>
      %dma_start3A_349 = tpu.memref_squeeze %dma_start3A_348 : memref<1x!tpu.dma_semaphore, #tpu.memory_space<semaphore_mem>> -> memref<!tpu.dma_semaphore, #tpu.memory_space<semaphore_mem>>
      tpu.enqueue_indirect_dma source(%dma_start3A_347 : memref<100000x64xf32, #tpu.memory_space<hbm>>) target(%dma_start3A_341 : memref<96x64xf32, #tpu.memory_space<vmem>>) offsets(%dma_start3A_344 : memref<96xi32, #tpu.memory_space<vmem>>) semaphore(%dma_start3A_349 : memref<!tpu.dma_semaphore, #tpu.memory_space<semaphore_mem>>)
      %gt3A_350 = arith.constant 0 : i32
      %gt3A_351 = arith.cmpi sgt, %scan3A_215, %gt3A_350 : i32
      %convert_element_type3A_352 = arith.extui %gt3A_351 : i1 to i32
      %cond3A_353 = arith.constant 0 : i32
      %cond3A_354 = arith.cmpi ne, %convert_element_type3A_352, %cond3A_353 : i32
      scf.if %cond3A_354 {
        %sub3A = arith.constant 1 : i32
        %sub3A_1044 = arith.subi %scan3A_215, %sub3A : i32
        %mul3A_1045 = arith.constant 128 : i32
        %mul3A_1046 = arith.muli %add3A, %mul3A_1045 : i32
        %mul3A_1047 = arith.constant 4 : i32
        %mul3A_1048 = arith.muli %sub3A_1044, %mul3A_1047 : i32
        %add3A_1049 = arith.addi %mul3A_1046, %mul3A_1048 : i32
        %add3A_1050 = arith.constant 3 : i32
        %add3A_1051 = arith.addi %add3A_1049, %add3A_1050 : i32
        %dma_wait3A_1052 = arith.constant 6 : i32
        %dma_wait3A_1053 = arith.constant 6 : i32
        %dma_wait3A_1054 = arith.constant 0 : i32
        %dma_wait3A_1055 = arith.constant 0 : i32
        %dma_wait3A_1056 = tpu.memref_slice %arg9[%dma_wait3A_1052, %dma_wait3A_1054, %dma_wait3A_1055] : memref<8x104x64xf32, #tpu.memory_space<vmem>> -> memref<1x104x64xf32, #tpu.memory_space<vmem>>
        %dma_wait3A_1057 = tpu.memref_squeeze %dma_wait3A_1056 : memref<1x104x64xf32, #tpu.memory_space<vmem>> -> memref<104x64xf32, #tpu.memory_space<vmem>>
        %dma_wait3A_1058 = arith.constant 0 : i32
        %dma_wait3A_1059 = arith.constant 0 : i32
        %dma_wait3A_1060 = tpu.memref_slice %arg6[%add3A_1051, %dma_wait3A_1058, %dma_wait3A_1059] : memref<4096x200x128xf32, #tpu.memory_space<hbm>> -> memref<1x104x64xf32, #tpu.memory_space<hbm>>
        %dma_wait3A_1061 = tpu.memref_squeeze %dma_wait3A_1060 : memref<1x104x64xf32, #tpu.memory_space<hbm>> -> memref<104x64xf32, #tpu.memory_space<hbm>>
        %dma_wait3A_1062 = tpu.memref_slice %arg10[%dma_wait3A_1053] : memref<8x!tpu.dma_semaphore, #tpu.memory_space<semaphore_mem>> -> memref<1x!tpu.dma_semaphore, #tpu.memory_space<semaphore_mem>>
        %dma_wait3A_1063 = tpu.memref_squeeze %dma_wait3A_1062 : memref<1x!tpu.dma_semaphore, #tpu.memory_space<semaphore_mem>> -> memref<!tpu.dma_semaphore, #tpu.memory_space<semaphore_mem>>
        %dma_wait3A_1064 = arith.constant 0 : i32
        %dma_wait3A_1065 = arith.constant 0 : i32
        %dma_wait3A_1066 = tpu.memref_slice %arg6[%add3A_1051, %dma_wait3A_1064, %dma_wait3A_1065] : memref<4096x200x128xf32, #tpu.memory_space<hbm>> -> memref<1x104x64xf32, #tpu.memory_space<hbm>>
        %dma_wait3A_1067 = tpu.memref_squeeze %dma_wait3A_1066 : memref<1x104x64xf32, #tpu.memory_space<hbm>> -> memref<104x64xf32, #tpu.memory_space<hbm>>
        %dma_wait3A_1068 = arith.constant 0 : i32
        %dma_wait3A_1069 = arith.constant 0 : i32
        %dma_wait3A_1070 = tpu.memref_slice %arg9[%dma_wait3A_1052, %dma_wait3A_1068, %dma_wait3A_1069] : memref<8x104x64xf32, #tpu.memory_space<vmem>> -> memref<1x104x64xf32, #tpu.memory_space<vmem>>
        %dma_wait3A_1071 = tpu.memref_squeeze %dma_wait3A_1070 : memref<1x104x64xf32, #tpu.memory_space<vmem>> -> memref<104x64xf32, #tpu.memory_space<vmem>>
        tpu.wait_dma2 semaphore(%dma_wait3A_1063 : memref<!tpu.dma_semaphore, #tpu.memory_space<semaphore_mem>>) src(%dma_wait3A_1071 : memref<104x64xf32, #tpu.memory_space<vmem>>) dst(%dma_wait3A_1067 : memref<104x64xf32, #tpu.memory_space<hbm>>)
      } else {
      }
      %mul3A_355 = arith.constant 4 : i32
      %mul3A_356 = arith.muli %scan3A_215, %mul3A_355 : i32
      %add3A_357 = arith.constant 3 : i32
      %add3A_358 = arith.addi %mul3A_356, %add3A_357 : i32
      %dma_start3A_359 = arith.constant 6 : i32
      %dma_start3A_360 = arith.constant 6 : i32
      %dma_start3A_361 = arith.constant 0 : i32
      %dma_start3A_362 = arith.constant 0 : i32
      %dma_start3A_363 = tpu.memref_slice %arg9[%dma_start3A_359, %dma_start3A_361, %dma_start3A_362] : memref<8x104x64xf32, #tpu.memory_space<vmem>> -> memref<1x104x64xf32, #tpu.memory_space<vmem>>
      %dma_start3A_364 = tpu.memref_squeeze %dma_start3A_363 : memref<1x104x64xf32, #tpu.memory_space<vmem>> -> memref<104x64xf32, #tpu.memory_space<vmem>>
      %dma_start3A_365 = arith.constant 0 : i32
      %dma_start3A_366 = tpu.memref_slice %arg7[%add3A_358, %dma_start3A_365] : memref<128x200xi32, #tpu.memory_space<vmem>> -> memref<1x104xi32, #tpu.memory_space<vmem>>
      %dma_start3A_367 = tpu.memref_squeeze %dma_start3A_366 : memref<1x104xi32, #tpu.memory_space<vmem>> -> memref<104xi32, #tpu.memory_space<vmem>>
      %dma_start3A_368 = arith.constant 0 : i32
      %dma_start3A_369 = arith.constant 0 : i32
      %dma_start3A_370 = tpu.memref_slice %arg4[%dma_start3A_368, %dma_start3A_369] : memref<100000x64xf32, #tpu.memory_space<hbm>> -> memref<100000x64xf32, #tpu.memory_space<hbm>>
      %dma_start3A_371 = tpu.memref_slice %arg10[%dma_start3A_360] : memref<8x!tpu.dma_semaphore, #tpu.memory_space<semaphore_mem>> -> memref<1x!tpu.dma_semaphore, #tpu.memory_space<semaphore_mem>>
      %dma_start3A_372 = tpu.memref_squeeze %dma_start3A_371 : memref<1x!tpu.dma_semaphore, #tpu.memory_space<semaphore_mem>> -> memref<!tpu.dma_semaphore, #tpu.memory_space<semaphore_mem>>
      tpu.enqueue_indirect_dma source(%dma_start3A_370 : memref<100000x64xf32, #tpu.memory_space<hbm>>) target(%dma_start3A_364 : memref<104x64xf32, #tpu.memory_space<vmem>>) offsets(%dma_start3A_367 : memref<104xi32, #tpu.memory_space<vmem>>) semaphore(%dma_start3A_372 : memref<!tpu.dma_semaphore, #tpu.memory_space<semaphore_mem>>)
      %gt3A_373 = arith.constant 0 : i32
      %gt3A_374 = arith.cmpi sgt, %scan3A_215, %gt3A_373 : i32
      %convert_element_type3A_375 = arith.extui %gt3A_374 : i1 to i32
      %cond3A_376 = arith.constant 0 : i32
      %cond3A_377 = arith.cmpi ne, %convert_element_type3A_375, %cond3A_376 : i32
      scf.if %cond3A_377 {
        %sub3A = arith.constant 1 : i32
        %sub3A_1044 = arith.subi %scan3A_215, %sub3A : i32
        %mul3A_1045 = arith.constant 128 : i32
        %mul3A_1046 = arith.muli %add3A, %mul3A_1045 : i32
        %mul3A_1047 = arith.constant 4 : i32
        %mul3A_1048 = arith.muli %sub3A_1044, %mul3A_1047 : i32
        %add3A_1049 = arith.addi %mul3A_1046, %mul3A_1048 : i32
        %add3A_1050 = arith.constant 3 : i32
        %add3A_1051 = arith.addi %add3A_1049, %add3A_1050 : i32
        %dma_wait3A_1052 = arith.constant 7 : i32
        %dma_wait3A_1053 = arith.constant 7 : i32
        %dma_wait3A_1054 = arith.constant 0 : i32
        %dma_wait3A_1055 = arith.constant 0 : i32
        %dma_wait3A_1056 = tpu.memref_slice %arg9[%dma_wait3A_1052, %dma_wait3A_1054, %dma_wait3A_1055] : memref<8x104x64xf32, #tpu.memory_space<vmem>> -> memref<1x96x64xf32, #tpu.memory_space<vmem>>
        %dma_wait3A_1057 = tpu.memref_squeeze %dma_wait3A_1056 : memref<1x96x64xf32, #tpu.memory_space<vmem>> -> memref<96x64xf32, #tpu.memory_space<vmem>>
        %dma_wait3A_1058 = arith.constant 104 : i32
        %dma_wait3A_1059 = arith.constant 0 : i32
        %dma_wait3A_1060 = tpu.memref_slice %arg6[%add3A_1051, %dma_wait3A_1058, %dma_wait3A_1059] : memref<4096x200x128xf32, #tpu.memory_space<hbm>> -> memref<1x96x64xf32, #tpu.memory_space<hbm>>
        %dma_wait3A_1061 = tpu.memref_squeeze %dma_wait3A_1060 : memref<1x96x64xf32, #tpu.memory_space<hbm>> -> memref<96x64xf32, #tpu.memory_space<hbm>>
        %dma_wait3A_1062 = tpu.memref_slice %arg10[%dma_wait3A_1053] : memref<8x!tpu.dma_semaphore, #tpu.memory_space<semaphore_mem>> -> memref<1x!tpu.dma_semaphore, #tpu.memory_space<semaphore_mem>>
        %dma_wait3A_1063 = tpu.memref_squeeze %dma_wait3A_1062 : memref<1x!tpu.dma_semaphore, #tpu.memory_space<semaphore_mem>> -> memref<!tpu.dma_semaphore, #tpu.memory_space<semaphore_mem>>
        %dma_wait3A_1064 = arith.constant 104 : i32
        %dma_wait3A_1065 = arith.constant 0 : i32
        %dma_wait3A_1066 = tpu.memref_slice %arg6[%add3A_1051, %dma_wait3A_1064, %dma_wait3A_1065] : memref<4096x200x128xf32, #tpu.memory_space<hbm>> -> memref<1x96x64xf32, #tpu.memory_space<hbm>>
        %dma_wait3A_1067 = tpu.memref_squeeze %dma_wait3A_1066 : memref<1x96x64xf32, #tpu.memory_space<hbm>> -> memref<96x64xf32, #tpu.memory_space<hbm>>
        %dma_wait3A_1068 = arith.constant 0 : i32
        %dma_wait3A_1069 = arith.constant 0 : i32
        %dma_wait3A_1070 = tpu.memref_slice %arg9[%dma_wait3A_1052, %dma_wait3A_1068, %dma_wait3A_1069] : memref<8x104x64xf32, #tpu.memory_space<vmem>> -> memref<1x96x64xf32, #tpu.memory_space<vmem>>
        %dma_wait3A_1071 = tpu.memref_squeeze %dma_wait3A_1070 : memref<1x96x64xf32, #tpu.memory_space<vmem>> -> memref<96x64xf32, #tpu.memory_space<vmem>>
        tpu.wait_dma2 semaphore(%dma_wait3A_1063 : memref<!tpu.dma_semaphore, #tpu.memory_space<semaphore_mem>>) src(%dma_wait3A_1071 : memref<96x64xf32, #tpu.memory_space<vmem>>) dst(%dma_wait3A_1067 : memref<96x64xf32, #tpu.memory_space<hbm>>)
      } else {
      }
      %mul3A_378 = arith.constant 4 : i32
      %mul3A_379 = arith.muli %scan3A_215, %mul3A_378 : i32
      %add3A_380 = arith.constant 3 : i32
      %add3A_381 = arith.addi %mul3A_379, %add3A_380 : i32
      %dma_start3A_382 = arith.constant 7 : i32
      %dma_start3A_383 = arith.constant 7 : i32
      %dma_start3A_384 = arith.constant 0 : i32
      %dma_start3A_385 = arith.constant 0 : i32
      %dma_start3A_386 = tpu.memref_slice %arg9[%dma_start3A_382, %dma_start3A_384, %dma_start3A_385] : memref<8x104x64xf32, #tpu.memory_space<vmem>> -> memref<1x96x64xf32, #tpu.memory_space<vmem>>
      %dma_start3A_387 = tpu.memref_squeeze %dma_start3A_386 : memref<1x96x64xf32, #tpu.memory_space<vmem>> -> memref<96x64xf32, #tpu.memory_space<vmem>>
      %dma_start3A_388 = arith.constant 104 : i32
      %dma_start3A_389 = tpu.memref_slice %arg7[%add3A_381, %dma_start3A_388] : memref<128x200xi32, #tpu.memory_space<vmem>> -> memref<1x96xi32, #tpu.memory_space<vmem>>
      %dma_start3A_390 = tpu.memref_squeeze %dma_start3A_389 : memref<1x96xi32, #tpu.memory_space<vmem>> -> memref<96xi32, #tpu.memory_space<vmem>>
      %dma_start3A_391 = arith.constant 0 : i32
      %dma_start3A_392 = arith.constant 0 : i32
      %dma_start3A_393 = tpu.memref_slice %arg4[%dma_start3A_391, %dma_start3A_392] : memref<100000x64xf32, #tpu.memory_space<hbm>> -> memref<100000x64xf32, #tpu.memory_space<hbm>>
      %dma_start3A_394 = tpu.memref_slice %arg10[%dma_start3A_383] : memref<8x!tpu.dma_semaphore, #tpu.memory_space<semaphore_mem>> -> memref<1x!tpu.dma_semaphore, #tpu.memory_space<semaphore_mem>>
      %dma_start3A_395 = tpu.memref_squeeze %dma_start3A_394 : memref<1x!tpu.dma_semaphore, #tpu.memory_space<semaphore_mem>> -> memref<!tpu.dma_semaphore, #tpu.memory_space<semaphore_mem>>
      tpu.enqueue_indirect_dma source(%dma_start3A_393 : memref<100000x64xf32, #tpu.memory_space<hbm>>) target(%dma_start3A_387 : memref<96x64xf32, #tpu.memory_space<vmem>>) offsets(%dma_start3A_390 : memref<96xi32, #tpu.memory_space<vmem>>) semaphore(%dma_start3A_395 : memref<!tpu.dma_semaphore, #tpu.memory_space<semaphore_mem>>)
      %mul3A_396 = arith.constant 4 : i32
      %mul3A_397 = arith.muli %scan3A_215, %mul3A_396 : i32
      %add3A_398 = arith.constant 0 : i32
      %add3A_399 = arith.addi %mul3A_397, %add3A_398 : i32
      %dma_wait3A_400 = arith.constant 0 : i32
      %dma_wait3A_401 = arith.constant 0 : i32
      %dma_wait3A_402 = arith.constant 0 : i32
      %dma_wait3A_403 = arith.constant 0 : i32
      %dma_wait3A_404 = tpu.memref_slice %arg9[%dma_wait3A_400, %dma_wait3A_402, %dma_wait3A_403] : memref<8x104x64xf32, #tpu.memory_space<vmem>> -> memref<1x104x64xf32, #tpu.memory_space<vmem>>
      %dma_wait3A_405 = tpu.memref_squeeze %dma_wait3A_404 : memref<1x104x64xf32, #tpu.memory_space<vmem>> -> memref<104x64xf32, #tpu.memory_space<vmem>>
      %dma_wait3A_406 = arith.constant 0 : i32
      %dma_wait3A_407 = tpu.memref_slice %arg7[%add3A_399, %dma_wait3A_406] : memref<128x200xi32, #tpu.memory_space<vmem>> -> memref<1x104xi32, #tpu.memory_space<vmem>>
      %dma_wait3A_408 = tpu.memref_squeeze %dma_wait3A_407 : memref<1x104xi32, #tpu.memory_space<vmem>> -> memref<104xi32, #tpu.memory_space<vmem>>
      %dma_wait3A_409 = arith.constant 0 : i32
      %dma_wait3A_410 = arith.constant 0 : i32
      %dma_wait3A_411 = tpu.memref_slice %arg4[%dma_wait3A_409, %dma_wait3A_410] : memref<100000x64xf32, #tpu.memory_space<hbm>> -> memref<100000x64xf32, #tpu.memory_space<hbm>>
      %dma_wait3A_412 = tpu.memref_slice %arg10[%dma_wait3A_401] : memref<8x!tpu.dma_semaphore, #tpu.memory_space<semaphore_mem>> -> memref<1x!tpu.dma_semaphore, #tpu.memory_space<semaphore_mem>>
      %dma_wait3A_413 = tpu.memref_squeeze %dma_wait3A_412 : memref<1x!tpu.dma_semaphore, #tpu.memory_space<semaphore_mem>> -> memref<!tpu.dma_semaphore, #tpu.memory_space<semaphore_mem>>
      tpu.wait_indirect_dma semaphore(%dma_wait3A_413 : memref<!tpu.dma_semaphore, #tpu.memory_space<semaphore_mem>>) src(%dma_wait3A_411 : memref<100000x64xf32, #tpu.memory_space<hbm>>) dst(%dma_wait3A_405 : memref<104x64xf32, #tpu.memory_space<vmem>>)
      %mul3A_414 = arith.constant 4 : i32
      %mul3A_415 = arith.muli %scan3A_215, %mul3A_414 : i32
      %add3A_416 = arith.constant 0 : i32
      %add3A_417 = arith.addi %mul3A_415, %add3A_416 : i32
      %dma_start3A_418 = arith.constant 0 : i32
      %dma_start3A_419 = arith.constant 0 : i32
      %dma_start3A_420 = arith.constant 0 : i32
      %dma_start3A_421 = arith.constant 0 : i32
      %dma_start3A_422 = tpu.memref_slice %arg9[%dma_start3A_418, %dma_start3A_420, %dma_start3A_421] : memref<8x104x64xf32, #tpu.memory_space<vmem>> -> memref<1x104x64xf32, #tpu.memory_space<vmem>>
      %dma_start3A_423 = tpu.memref_squeeze %dma_start3A_422 : memref<1x104x64xf32, #tpu.memory_space<vmem>> -> memref<104x64xf32, #tpu.memory_space<vmem>>
      %dma_start3A_424 = arith.constant 0 : i32
      %dma_start3A_425 = tpu.memref_slice %arg8[%add3A_417, %dma_start3A_424] : memref<128x200xi32, #tpu.memory_space<vmem>> -> memref<1x104xi32, #tpu.memory_space<vmem>>
      %dma_start3A_426 = tpu.memref_squeeze %dma_start3A_425 : memref<1x104xi32, #tpu.memory_space<vmem>> -> memref<104xi32, #tpu.memory_space<vmem>>
      %dma_start3A_427 = arith.constant 0 : i32
      %dma_start3A_428 = arith.constant 0 : i32
      %dma_start3A_429 = tpu.memref_slice %arg5[%dma_start3A_427, %dma_start3A_428] : memref<100000x64xf32, #tpu.memory_space<hbm>> -> memref<100000x64xf32, #tpu.memory_space<hbm>>
      %dma_start3A_430 = tpu.memref_slice %arg10[%dma_start3A_419] : memref<8x!tpu.dma_semaphore, #tpu.memory_space<semaphore_mem>> -> memref<1x!tpu.dma_semaphore, #tpu.memory_space<semaphore_mem>>
      %dma_start3A_431 = tpu.memref_squeeze %dma_start3A_430 : memref<1x!tpu.dma_semaphore, #tpu.memory_space<semaphore_mem>> -> memref<!tpu.dma_semaphore, #tpu.memory_space<semaphore_mem>>
      tpu.enqueue_indirect_dma source(%dma_start3A_429 : memref<100000x64xf32, #tpu.memory_space<hbm>>) target(%dma_start3A_423 : memref<104x64xf32, #tpu.memory_space<vmem>>) offsets(%dma_start3A_426 : memref<104xi32, #tpu.memory_space<vmem>>) semaphore(%dma_start3A_431 : memref<!tpu.dma_semaphore, #tpu.memory_space<semaphore_mem>>) {add = true}
      %mul3A_432 = arith.constant 4 : i32
      %mul3A_433 = arith.muli %scan3A_215, %mul3A_432 : i32
      %add3A_434 = arith.constant 0 : i32
      %add3A_435 = arith.addi %mul3A_433, %add3A_434 : i32
      %dma_wait3A_436 = arith.constant 1 : i32
      %dma_wait3A_437 = arith.constant 1 : i32
      %dma_wait3A_438 = arith.constant 0 : i32
      %dma_wait3A_439 = arith.constant 0 : i32
      %dma_wait3A_440 = tpu.memref_slice %arg9[%dma_wait3A_436, %dma_wait3A_438, %dma_wait3A_439] : memref<8x104x64xf32, #tpu.memory_space<vmem>> -> memref<1x96x64xf32, #tpu.memory_space<vmem>>
      %dma_wait3A_441 = tpu.memref_squeeze %dma_wait3A_440 : memref<1x96x64xf32, #tpu.memory_space<vmem>> -> memref<96x64xf32, #tpu.memory_space<vmem>>
      %dma_wait3A_442 = arith.constant 104 : i32
      %dma_wait3A_443 = tpu.memref_slice %arg7[%add3A_435, %dma_wait3A_442] : memref<128x200xi32, #tpu.memory_space<vmem>> -> memref<1x96xi32, #tpu.memory_space<vmem>>
      %dma_wait3A_444 = tpu.memref_squeeze %dma_wait3A_443 : memref<1x96xi32, #tpu.memory_space<vmem>> -> memref<96xi32, #tpu.memory_space<vmem>>
      %dma_wait3A_445 = arith.constant 0 : i32
      %dma_wait3A_446 = arith.constant 0 : i32
      %dma_wait3A_447 = tpu.memref_slice %arg4[%dma_wait3A_445, %dma_wait3A_446] : memref<100000x64xf32, #tpu.memory_space<hbm>> -> memref<100000x64xf32, #tpu.memory_space<hbm>>
      %dma_wait3A_448 = tpu.memref_slice %arg10[%dma_wait3A_437] : memref<8x!tpu.dma_semaphore, #tpu.memory_space<semaphore_mem>> -> memref<1x!tpu.dma_semaphore, #tpu.memory_space<semaphore_mem>>
      %dma_wait3A_449 = tpu.memref_squeeze %dma_wait3A_448 : memref<1x!tpu.dma_semaphore, #tpu.memory_space<semaphore_mem>> -> memref<!tpu.dma_semaphore, #tpu.memory_space<semaphore_mem>>
      tpu.wait_indirect_dma semaphore(%dma_wait3A_449 : memref<!tpu.dma_semaphore, #tpu.memory_space<semaphore_mem>>) src(%dma_wait3A_447 : memref<100000x64xf32, #tpu.memory_space<hbm>>) dst(%dma_wait3A_441 : memref<96x64xf32, #tpu.memory_space<vmem>>)
      %mul3A_450 = arith.constant 4 : i32
      %mul3A_451 = arith.muli %scan3A_215, %mul3A_450 : i32
      %add3A_452 = arith.constant 0 : i32
      %add3A_453 = arith.addi %mul3A_451, %add3A_452 : i32
      %dma_start3A_454 = arith.constant 1 : i32
      %dma_start3A_455 = arith.constant 1 : i32
      %dma_start3A_456 = arith.constant 0 : i32
      %dma_start3A_457 = arith.constant 0 : i32
      %dma_start3A_458 = tpu.memref_slice %arg9[%dma_start3A_454, %dma_start3A_456, %dma_start3A_457] : memref<8x104x64xf32, #tpu.memory_space<vmem>> -> memref<1x96x64xf32, #tpu.memory_space<vmem>>
      %dma_start3A_459 = tpu.memref_squeeze %dma_start3A_458 : memref<1x96x64xf32, #tpu.memory_space<vmem>> -> memref<96x64xf32, #tpu.memory_space<vmem>>
      %dma_start3A_460 = arith.constant 104 : i32
      %dma_start3A_461 = tpu.memref_slice %arg8[%add3A_453, %dma_start3A_460] : memref<128x200xi32, #tpu.memory_space<vmem>> -> memref<1x96xi32, #tpu.memory_space<vmem>>
      %dma_start3A_462 = tpu.memref_squeeze %dma_start3A_461 : memref<1x96xi32, #tpu.memory_space<vmem>> -> memref<96xi32, #tpu.memory_space<vmem>>
      %dma_start3A_463 = arith.constant 0 : i32
      %dma_start3A_464 = arith.constant 0 : i32
      %dma_start3A_465 = tpu.memref_slice %arg5[%dma_start3A_463, %dma_start3A_464] : memref<100000x64xf32, #tpu.memory_space<hbm>> -> memref<100000x64xf32, #tpu.memory_space<hbm>>
      %dma_start3A_466 = tpu.memref_slice %arg10[%dma_start3A_455] : memref<8x!tpu.dma_semaphore, #tpu.memory_space<semaphore_mem>> -> memref<1x!tpu.dma_semaphore, #tpu.memory_space<semaphore_mem>>
      %dma_start3A_467 = tpu.memref_squeeze %dma_start3A_466 : memref<1x!tpu.dma_semaphore, #tpu.memory_space<semaphore_mem>> -> memref<!tpu.dma_semaphore, #tpu.memory_space<semaphore_mem>>
      tpu.enqueue_indirect_dma source(%dma_start3A_465 : memref<100000x64xf32, #tpu.memory_space<hbm>>) target(%dma_start3A_459 : memref<96x64xf32, #tpu.memory_space<vmem>>) offsets(%dma_start3A_462 : memref<96xi32, #tpu.memory_space<vmem>>) semaphore(%dma_start3A_467 : memref<!tpu.dma_semaphore, #tpu.memory_space<semaphore_mem>>) {add = true}
      %mul3A_468 = arith.constant 4 : i32
      %mul3A_469 = arith.muli %scan3A_215, %mul3A_468 : i32
      %add3A_470 = arith.constant 1 : i32
      %add3A_471 = arith.addi %mul3A_469, %add3A_470 : i32
      %dma_wait3A_472 = arith.constant 2 : i32
      %dma_wait3A_473 = arith.constant 2 : i32
      %dma_wait3A_474 = arith.constant 0 : i32
      %dma_wait3A_475 = arith.constant 0 : i32
      %dma_wait3A_476 = tpu.memref_slice %arg9[%dma_wait3A_472, %dma_wait3A_474, %dma_wait3A_475] : memref<8x104x64xf32, #tpu.memory_space<vmem>> -> memref<1x104x64xf32, #tpu.memory_space<vmem>>
      %dma_wait3A_477 = tpu.memref_squeeze %dma_wait3A_476 : memref<1x104x64xf32, #tpu.memory_space<vmem>> -> memref<104x64xf32, #tpu.memory_space<vmem>>
      %dma_wait3A_478 = arith.constant 0 : i32
      %dma_wait3A_479 = tpu.memref_slice %arg7[%add3A_471, %dma_wait3A_478] : memref<128x200xi32, #tpu.memory_space<vmem>> -> memref<1x104xi32, #tpu.memory_space<vmem>>
      %dma_wait3A_480 = tpu.memref_squeeze %dma_wait3A_479 : memref<1x104xi32, #tpu.memory_space<vmem>> -> memref<104xi32, #tpu.memory_space<vmem>>
      %dma_wait3A_481 = arith.constant 0 : i32
      %dma_wait3A_482 = arith.constant 0 : i32
      %dma_wait3A_483 = tpu.memref_slice %arg4[%dma_wait3A_481, %dma_wait3A_482] : memref<100000x64xf32, #tpu.memory_space<hbm>> -> memref<100000x64xf32, #tpu.memory_space<hbm>>
      %dma_wait3A_484 = tpu.memref_slice %arg10[%dma_wait3A_473] : memref<8x!tpu.dma_semaphore, #tpu.memory_space<semaphore_mem>> -> memref<1x!tpu.dma_semaphore, #tpu.memory_space<semaphore_mem>>
      %dma_wait3A_485 = tpu.memref_squeeze %dma_wait3A_484 : memref<1x!tpu.dma_semaphore, #tpu.memory_space<semaphore_mem>> -> memref<!tpu.dma_semaphore, #tpu.memory_space<semaphore_mem>>
      tpu.wait_indirect_dma semaphore(%dma_wait3A_485 : memref<!tpu.dma_semaphore, #tpu.memory_space<semaphore_mem>>) src(%dma_wait3A_483 : memref<100000x64xf32, #tpu.memory_space<hbm>>) dst(%dma_wait3A_477 : memref<104x64xf32, #tpu.memory_space<vmem>>)
      %mul3A_486 = arith.constant 4 : i32
      %mul3A_487 = arith.muli %scan3A_215, %mul3A_486 : i32
      %add3A_488 = arith.constant 1 : i32
      %add3A_489 = arith.addi %mul3A_487, %add3A_488 : i32
      %dma_start3A_490 = arith.constant 2 : i32
      %dma_start3A_491 = arith.constant 2 : i32
      %dma_start3A_492 = arith.constant 0 : i32
      %dma_start3A_493 = arith.constant 0 : i32
      %dma_start3A_494 = tpu.memref_slice %arg9[%dma_start3A_490, %dma_start3A_492, %dma_start3A_493] : memref<8x104x64xf32, #tpu.memory_space<vmem>> -> memref<1x104x64xf32, #tpu.memory_space<vmem>>
      %dma_start3A_495 = tpu.memref_squeeze %dma_start3A_494 : memref<1x104x64xf32, #tpu.memory_space<vmem>> -> memref<104x64xf32, #tpu.memory_space<vmem>>
      %dma_start3A_496 = arith.constant 0 : i32
      %dma_start3A_497 = tpu.memref_slice %arg8[%add3A_489, %dma_start3A_496] : memref<128x200xi32, #tpu.memory_space<vmem>> -> memref<1x104xi32, #tpu.memory_space<vmem>>
      %dma_start3A_498 = tpu.memref_squeeze %dma_start3A_497 : memref<1x104xi32, #tpu.memory_space<vmem>> -> memref<104xi32, #tpu.memory_space<vmem>>
      %dma_start3A_499 = arith.constant 0 : i32
      %dma_start3A_500 = arith.constant 0 : i32
      %dma_start3A_501 = tpu.memref_slice %arg5[%dma_start3A_499, %dma_start3A_500] : memref<100000x64xf32, #tpu.memory_space<hbm>> -> memref<100000x64xf32, #tpu.memory_space<hbm>>
      %dma_start3A_502 = tpu.memref_slice %arg10[%dma_start3A_491] : memref<8x!tpu.dma_semaphore, #tpu.memory_space<semaphore_mem>> -> memref<1x!tpu.dma_semaphore, #tpu.memory_space<semaphore_mem>>
      %dma_start3A_503 = tpu.memref_squeeze %dma_start3A_502 : memref<1x!tpu.dma_semaphore, #tpu.memory_space<semaphore_mem>> -> memref<!tpu.dma_semaphore, #tpu.memory_space<semaphore_mem>>
      tpu.enqueue_indirect_dma source(%dma_start3A_501 : memref<100000x64xf32, #tpu.memory_space<hbm>>) target(%dma_start3A_495 : memref<104x64xf32, #tpu.memory_space<vmem>>) offsets(%dma_start3A_498 : memref<104xi32, #tpu.memory_space<vmem>>) semaphore(%dma_start3A_503 : memref<!tpu.dma_semaphore, #tpu.memory_space<semaphore_mem>>) {add = true}
      %mul3A_504 = arith.constant 4 : i32
      %mul3A_505 = arith.muli %scan3A_215, %mul3A_504 : i32
      %add3A_506 = arith.constant 1 : i32
      %add3A_507 = arith.addi %mul3A_505, %add3A_506 : i32
      %dma_wait3A_508 = arith.constant 3 : i32
      %dma_wait3A_509 = arith.constant 3 : i32
      %dma_wait3A_510 = arith.constant 0 : i32
      %dma_wait3A_511 = arith.constant 0 : i32
      %dma_wait3A_512 = tpu.memref_slice %arg9[%dma_wait3A_508, %dma_wait3A_510, %dma_wait3A_511] : memref<8x104x64xf32, #tpu.memory_space<vmem>> -> memref<1x96x64xf32, #tpu.memory_space<vmem>>
      %dma_wait3A_513 = tpu.memref_squeeze %dma_wait3A_512 : memref<1x96x64xf32, #tpu.memory_space<vmem>> -> memref<96x64xf32, #tpu.memory_space<vmem>>
      %dma_wait3A_514 = arith.constant 104 : i32
      %dma_wait3A_515 = tpu.memref_slice %arg7[%add3A_507, %dma_wait3A_514] : memref<128x200xi32, #tpu.memory_space<vmem>> -> memref<1x96xi32, #tpu.memory_space<vmem>>
      %dma_wait3A_516 = tpu.memref_squeeze %dma_wait3A_515 : memref<1x96xi32, #tpu.memory_space<vmem>> -> memref<96xi32, #tpu.memory_space<vmem>>
      %dma_wait3A_517 = arith.constant 0 : i32
      %dma_wait3A_518 = arith.constant 0 : i32
      %dma_wait3A_519 = tpu.memref_slice %arg4[%dma_wait3A_517, %dma_wait3A_518] : memref<100000x64xf32, #tpu.memory_space<hbm>> -> memref<100000x64xf32, #tpu.memory_space<hbm>>
      %dma_wait3A_520 = tpu.memref_slice %arg10[%dma_wait3A_509] : memref<8x!tpu.dma_semaphore, #tpu.memory_space<semaphore_mem>> -> memref<1x!tpu.dma_semaphore, #tpu.memory_space<semaphore_mem>>
      %dma_wait3A_521 = tpu.memref_squeeze %dma_wait3A_520 : memref<1x!tpu.dma_semaphore, #tpu.memory_space<semaphore_mem>> -> memref<!tpu.dma_semaphore, #tpu.memory_space<semaphore_mem>>
      tpu.wait_indirect_dma semaphore(%dma_wait3A_521 : memref<!tpu.dma_semaphore, #tpu.memory_space<semaphore_mem>>) src(%dma_wait3A_519 : memref<100000x64xf32, #tpu.memory_space<hbm>>) dst(%dma_wait3A_513 : memref<96x64xf32, #tpu.memory_space<vmem>>)
      %mul3A_522 = arith.constant 4 : i32
      %mul3A_523 = arith.muli %scan3A_215, %mul3A_522 : i32
      %add3A_524 = arith.constant 1 : i32
      %add3A_525 = arith.addi %mul3A_523, %add3A_524 : i32
      %dma_start3A_526 = arith.constant 3 : i32
      %dma_start3A_527 = arith.constant 3 : i32
      %dma_start3A_528 = arith.constant 0 : i32
      %dma_start3A_529 = arith.constant 0 : i32
      %dma_start3A_530 = tpu.memref_slice %arg9[%dma_start3A_526, %dma_start3A_528, %dma_start3A_529] : memref<8x104x64xf32, #tpu.memory_space<vmem>> -> memref<1x96x64xf32, #tpu.memory_space<vmem>>
      %dma_start3A_531 = tpu.memref_squeeze %dma_start3A_530 : memref<1x96x64xf32, #tpu.memory_space<vmem>> -> memref<96x64xf32, #tpu.memory_space<vmem>>
      %dma_start3A_532 = arith.constant 104 : i32
      %dma_start3A_533 = tpu.memref_slice %arg8[%add3A_525, %dma_start3A_532] : memref<128x200xi32, #tpu.memory_space<vmem>> -> memref<1x96xi32, #tpu.memory_space<vmem>>
      %dma_start3A_534 = tpu.memref_squeeze %dma_start3A_533 : memref<1x96xi32, #tpu.memory_space<vmem>> -> memref<96xi32, #tpu.memory_space<vmem>>
      %dma_start3A_535 = arith.constant 0 : i32
      %dma_start3A_536 = arith.constant 0 : i32
      %dma_start3A_537 = tpu.memref_slice %arg5[%dma_start3A_535, %dma_start3A_536] : memref<100000x64xf32, #tpu.memory_space<hbm>> -> memref<100000x64xf32, #tpu.memory_space<hbm>>
      %dma_start3A_538 = tpu.memref_slice %arg10[%dma_start3A_527] : memref<8x!tpu.dma_semaphore, #tpu.memory_space<semaphore_mem>> -> memref<1x!tpu.dma_semaphore, #tpu.memory_space<semaphore_mem>>
      %dma_start3A_539 = tpu.memref_squeeze %dma_start3A_538 : memref<1x!tpu.dma_semaphore, #tpu.memory_space<semaphore_mem>> -> memref<!tpu.dma_semaphore, #tpu.memory_space<semaphore_mem>>
      tpu.enqueue_indirect_dma source(%dma_start3A_537 : memref<100000x64xf32, #tpu.memory_space<hbm>>) target(%dma_start3A_531 : memref<96x64xf32, #tpu.memory_space<vmem>>) offsets(%dma_start3A_534 : memref<96xi32, #tpu.memory_space<vmem>>) semaphore(%dma_start3A_539 : memref<!tpu.dma_semaphore, #tpu.memory_space<semaphore_mem>>) {add = true}
      %mul3A_540 = arith.constant 4 : i32
      %mul3A_541 = arith.muli %scan3A_215, %mul3A_540 : i32
      %add3A_542 = arith.constant 2 : i32
      %add3A_543 = arith.addi %mul3A_541, %add3A_542 : i32
      %dma_wait3A_544 = arith.constant 4 : i32
      %dma_wait3A_545 = arith.constant 4 : i32
      %dma_wait3A_546 = arith.constant 0 : i32
      %dma_wait3A_547 = arith.constant 0 : i32
      %dma_wait3A_548 = tpu.memref_slice %arg9[%dma_wait3A_544, %dma_wait3A_546, %dma_wait3A_547] : memref<8x104x64xf32, #tpu.memory_space<vmem>> -> memref<1x104x64xf32, #tpu.memory_space<vmem>>
      %dma_wait3A_549 = tpu.memref_squeeze %dma_wait3A_548 : memref<1x104x64xf32, #tpu.memory_space<vmem>> -> memref<104x64xf32, #tpu.memory_space<vmem>>
      %dma_wait3A_550 = arith.constant 0 : i32
      %dma_wait3A_551 = tpu.memref_slice %arg7[%add3A_543, %dma_wait3A_550] : memref<128x200xi32, #tpu.memory_space<vmem>> -> memref<1x104xi32, #tpu.memory_space<vmem>>
      %dma_wait3A_552 = tpu.memref_squeeze %dma_wait3A_551 : memref<1x104xi32, #tpu.memory_space<vmem>> -> memref<104xi32, #tpu.memory_space<vmem>>
      %dma_wait3A_553 = arith.constant 0 : i32
      %dma_wait3A_554 = arith.constant 0 : i32
      %dma_wait3A_555 = tpu.memref_slice %arg4[%dma_wait3A_553, %dma_wait3A_554] : memref<100000x64xf32, #tpu.memory_space<hbm>> -> memref<100000x64xf32, #tpu.memory_space<hbm>>
      %dma_wait3A_556 = tpu.memref_slice %arg10[%dma_wait3A_545] : memref<8x!tpu.dma_semaphore, #tpu.memory_space<semaphore_mem>> -> memref<1x!tpu.dma_semaphore, #tpu.memory_space<semaphore_mem>>
      %dma_wait3A_557 = tpu.memref_squeeze %dma_wait3A_556 : memref<1x!tpu.dma_semaphore, #tpu.memory_space<semaphore_mem>> -> memref<!tpu.dma_semaphore, #tpu.memory_space<semaphore_mem>>
      tpu.wait_indirect_dma semaphore(%dma_wait3A_557 : memref<!tpu.dma_semaphore, #tpu.memory_space<semaphore_mem>>) src(%dma_wait3A_555 : memref<100000x64xf32, #tpu.memory_space<hbm>>) dst(%dma_wait3A_549 : memref<104x64xf32, #tpu.memory_space<vmem>>)
      %mul3A_558 = arith.constant 4 : i32
      %mul3A_559 = arith.muli %scan3A_215, %mul3A_558 : i32
      %add3A_560 = arith.constant 2 : i32
      %add3A_561 = arith.addi %mul3A_559, %add3A_560 : i32
      %dma_start3A_562 = arith.constant 4 : i32
      %dma_start3A_563 = arith.constant 4 : i32
      %dma_start3A_564 = arith.constant 0 : i32
      %dma_start3A_565 = arith.constant 0 : i32
      %dma_start3A_566 = tpu.memref_slice %arg9[%dma_start3A_562, %dma_start3A_564, %dma_start3A_565] : memref<8x104x64xf32, #tpu.memory_space<vmem>> -> memref<1x104x64xf32, #tpu.memory_space<vmem>>
      %dma_start3A_567 = tpu.memref_squeeze %dma_start3A_566 : memref<1x104x64xf32, #tpu.memory_space<vmem>> -> memref<104x64xf32, #tpu.memory_space<vmem>>
      %dma_start3A_568 = arith.constant 0 : i32
      %dma_start3A_569 = tpu.memref_slice %arg8[%add3A_561, %dma_start3A_568] : memref<128x200xi32, #tpu.memory_space<vmem>> -> memref<1x104xi32, #tpu.memory_space<vmem>>
      %dma_start3A_570 = tpu.memref_squeeze %dma_start3A_569 : memref<1x104xi32, #tpu.memory_space<vmem>> -> memref<104xi32, #tpu.memory_space<vmem>>
      %dma_start3A_571 = arith.constant 0 : i32
      %dma_start3A_572 = arith.constant 0 : i32
      %dma_start3A_573 = tpu.memref_slice %arg5[%dma_start3A_571, %dma_start3A_572] : memref<100000x64xf32, #tpu.memory_space<hbm>> -> memref<100000x64xf32, #tpu.memory_space<hbm>>
      %dma_start3A_574 = tpu.memref_slice %arg10[%dma_start3A_563] : memref<8x!tpu.dma_semaphore, #tpu.memory_space<semaphore_mem>> -> memref<1x!tpu.dma_semaphore, #tpu.memory_space<semaphore_mem>>
      %dma_start3A_575 = tpu.memref_squeeze %dma_start3A_574 : memref<1x!tpu.dma_semaphore, #tpu.memory_space<semaphore_mem>> -> memref<!tpu.dma_semaphore, #tpu.memory_space<semaphore_mem>>
      tpu.enqueue_indirect_dma source(%dma_start3A_573 : memref<100000x64xf32, #tpu.memory_space<hbm>>) target(%dma_start3A_567 : memref<104x64xf32, #tpu.memory_space<vmem>>) offsets(%dma_start3A_570 : memref<104xi32, #tpu.memory_space<vmem>>) semaphore(%dma_start3A_575 : memref<!tpu.dma_semaphore, #tpu.memory_space<semaphore_mem>>) {add = true}
      %mul3A_576 = arith.constant 4 : i32
      %mul3A_577 = arith.muli %scan3A_215, %mul3A_576 : i32
      %add3A_578 = arith.constant 2 : i32
      %add3A_579 = arith.addi %mul3A_577, %add3A_578 : i32
      %dma_wait3A_580 = arith.constant 5 : i32
      %dma_wait3A_581 = arith.constant 5 : i32
      %dma_wait3A_582 = arith.constant 0 : i32
      %dma_wait3A_583 = arith.constant 0 : i32
      %dma_wait3A_584 = tpu.memref_slice %arg9[%dma_wait3A_580, %dma_wait3A_582, %dma_wait3A_583] : memref<8x104x64xf32, #tpu.memory_space<vmem>> -> memref<1x96x64xf32, #tpu.memory_space<vmem>>
      %dma_wait3A_585 = tpu.memref_squeeze %dma_wait3A_584 : memref<1x96x64xf32, #tpu.memory_space<vmem>> -> memref<96x64xf32, #tpu.memory_space<vmem>>
      %dma_wait3A_586 = arith.constant 104 : i32
      %dma_wait3A_587 = tpu.memref_slice %arg7[%add3A_579, %dma_wait3A_586] : memref<128x200xi32, #tpu.memory_space<vmem>> -> memref<1x96xi32, #tpu.memory_space<vmem>>
      %dma_wait3A_588 = tpu.memref_squeeze %dma_wait3A_587 : memref<1x96xi32, #tpu.memory_space<vmem>> -> memref<96xi32, #tpu.memory_space<vmem>>
      %dma_wait3A_589 = arith.constant 0 : i32
      %dma_wait3A_590 = arith.constant 0 : i32
      %dma_wait3A_591 = tpu.memref_slice %arg4[%dma_wait3A_589, %dma_wait3A_590] : memref<100000x64xf32, #tpu.memory_space<hbm>> -> memref<100000x64xf32, #tpu.memory_space<hbm>>
      %dma_wait3A_592 = tpu.memref_slice %arg10[%dma_wait3A_581] : memref<8x!tpu.dma_semaphore, #tpu.memory_space<semaphore_mem>> -> memref<1x!tpu.dma_semaphore, #tpu.memory_space<semaphore_mem>>
      %dma_wait3A_593 = tpu.memref_squeeze %dma_wait3A_592 : memref<1x!tpu.dma_semaphore, #tpu.memory_space<semaphore_mem>> -> memref<!tpu.dma_semaphore, #tpu.memory_space<semaphore_mem>>
      tpu.wait_indirect_dma semaphore(%dma_wait3A_593 : memref<!tpu.dma_semaphore, #tpu.memory_space<semaphore_mem>>) src(%dma_wait3A_591 : memref<100000x64xf32, #tpu.memory_space<hbm>>) dst(%dma_wait3A_585 : memref<96x64xf32, #tpu.memory_space<vmem>>)
      %mul3A_594 = arith.constant 4 : i32
      %mul3A_595 = arith.muli %scan3A_215, %mul3A_594 : i32
      %add3A_596 = arith.constant 2 : i32
      %add3A_597 = arith.addi %mul3A_595, %add3A_596 : i32
      %dma_start3A_598 = arith.constant 5 : i32
      %dma_start3A_599 = arith.constant 5 : i32
      %dma_start3A_600 = arith.constant 0 : i32
      %dma_start3A_601 = arith.constant 0 : i32
      %dma_start3A_602 = tpu.memref_slice %arg9[%dma_start3A_598, %dma_start3A_600, %dma_start3A_601] : memref<8x104x64xf32, #tpu.memory_space<vmem>> -> memref<1x96x64xf32, #tpu.memory_space<vmem>>
      %dma_start3A_603 = tpu.memref_squeeze %dma_start3A_602 : memref<1x96x64xf32, #tpu.memory_space<vmem>> -> memref<96x64xf32, #tpu.memory_space<vmem>>
      %dma_start3A_604 = arith.constant 104 : i32
      %dma_start3A_605 = tpu.memref_slice %arg8[%add3A_597, %dma_start3A_604] : memref<128x200xi32, #tpu.memory_space<vmem>> -> memref<1x96xi32, #tpu.memory_space<vmem>>
      %dma_start3A_606 = tpu.memref_squeeze %dma_start3A_605 : memref<1x96xi32, #tpu.memory_space<vmem>> -> memref<96xi32, #tpu.memory_space<vmem>>
      %dma_start3A_607 = arith.constant 0 : i32
      %dma_start3A_608 = arith.constant 0 : i32
      %dma_start3A_609 = tpu.memref_slice %arg5[%dma_start3A_607, %dma_start3A_608] : memref<100000x64xf32, #tpu.memory_space<hbm>> -> memref<100000x64xf32, #tpu.memory_space<hbm>>
      %dma_start3A_610 = tpu.memref_slice %arg10[%dma_start3A_599] : memref<8x!tpu.dma_semaphore, #tpu.memory_space<semaphore_mem>> -> memref<1x!tpu.dma_semaphore, #tpu.memory_space<semaphore_mem>>
      %dma_start3A_611 = tpu.memref_squeeze %dma_start3A_610 : memref<1x!tpu.dma_semaphore, #tpu.memory_space<semaphore_mem>> -> memref<!tpu.dma_semaphore, #tpu.memory_space<semaphore_mem>>
      tpu.enqueue_indirect_dma source(%dma_start3A_609 : memref<100000x64xf32, #tpu.memory_space<hbm>>) target(%dma_start3A_603 : memref<96x64xf32, #tpu.memory_space<vmem>>) offsets(%dma_start3A_606 : memref<96xi32, #tpu.memory_space<vmem>>) semaphore(%dma_start3A_611 : memref<!tpu.dma_semaphore, #tpu.memory_space<semaphore_mem>>) {add = true}
      %mul3A_612 = arith.constant 4 : i32
      %mul3A_613 = arith.muli %scan3A_215, %mul3A_612 : i32
      %add3A_614 = arith.constant 3 : i32
      %add3A_615 = arith.addi %mul3A_613, %add3A_614 : i32
      %dma_wait3A_616 = arith.constant 6 : i32
      %dma_wait3A_617 = arith.constant 6 : i32
      %dma_wait3A_618 = arith.constant 0 : i32
      %dma_wait3A_619 = arith.constant 0 : i32
      %dma_wait3A_620 = tpu.memref_slice %arg9[%dma_wait3A_616, %dma_wait3A_618, %dma_wait3A_619] : memref<8x104x64xf32, #tpu.memory_space<vmem>> -> memref<1x104x64xf32, #tpu.memory_space<vmem>>
      %dma_wait3A_621 = tpu.memref_squeeze %dma_wait3A_620 : memref<1x104x64xf32, #tpu.memory_space<vmem>> -> memref<104x64xf32, #tpu.memory_space<vmem>>
      %dma_wait3A_622 = arith.constant 0 : i32
      %dma_wait3A_623 = tpu.memref_slice %arg7[%add3A_615, %dma_wait3A_622] : memref<128x200xi32, #tpu.memory_space<vmem>> -> memref<1x104xi32, #tpu.memory_space<vmem>>
      %dma_wait3A_624 = tpu.memref_squeeze %dma_wait3A_623 : memref<1x104xi32, #tpu.memory_space<vmem>> -> memref<104xi32, #tpu.memory_space<vmem>>
      %dma_wait3A_625 = arith.constant 0 : i32
      %dma_wait3A_626 = arith.constant 0 : i32
      %dma_wait3A_627 = tpu.memref_slice %arg4[%dma_wait3A_625, %dma_wait3A_626] : memref<100000x64xf32, #tpu.memory_space<hbm>> -> memref<100000x64xf32, #tpu.memory_space<hbm>>
      %dma_wait3A_628 = tpu.memref_slice %arg10[%dma_wait3A_617] : memref<8x!tpu.dma_semaphore, #tpu.memory_space<semaphore_mem>> -> memref<1x!tpu.dma_semaphore, #tpu.memory_space<semaphore_mem>>
      %dma_wait3A_629 = tpu.memref_squeeze %dma_wait3A_628 : memref<1x!tpu.dma_semaphore, #tpu.memory_space<semaphore_mem>> -> memref<!tpu.dma_semaphore, #tpu.memory_space<semaphore_mem>>
      tpu.wait_indirect_dma semaphore(%dma_wait3A_629 : memref<!tpu.dma_semaphore, #tpu.memory_space<semaphore_mem>>) src(%dma_wait3A_627 : memref<100000x64xf32, #tpu.memory_space<hbm>>) dst(%dma_wait3A_621 : memref<104x64xf32, #tpu.memory_space<vmem>>)
      %mul3A_630 = arith.constant 4 : i32
      %mul3A_631 = arith.muli %scan3A_215, %mul3A_630 : i32
      %add3A_632 = arith.constant 3 : i32
      %add3A_633 = arith.addi %mul3A_631, %add3A_632 : i32
      %dma_start3A_634 = arith.constant 6 : i32
      %dma_start3A_635 = arith.constant 6 : i32
      %dma_start3A_636 = arith.constant 0 : i32
      %dma_start3A_637 = arith.constant 0 : i32
      %dma_start3A_638 = tpu.memref_slice %arg9[%dma_start3A_634, %dma_start3A_636, %dma_start3A_637] : memref<8x104x64xf32, #tpu.memory_space<vmem>> -> memref<1x104x64xf32, #tpu.memory_space<vmem>>
      %dma_start3A_639 = tpu.memref_squeeze %dma_start3A_638 : memref<1x104x64xf32, #tpu.memory_space<vmem>> -> memref<104x64xf32, #tpu.memory_space<vmem>>
      %dma_start3A_640 = arith.constant 0 : i32
      %dma_start3A_641 = tpu.memref_slice %arg8[%add3A_633, %dma_start3A_640] : memref<128x200xi32, #tpu.memory_space<vmem>> -> memref<1x104xi32, #tpu.memory_space<vmem>>
      %dma_start3A_642 = tpu.memref_squeeze %dma_start3A_641 : memref<1x104xi32, #tpu.memory_space<vmem>> -> memref<104xi32, #tpu.memory_space<vmem>>
      %dma_start3A_643 = arith.constant 0 : i32
      %dma_start3A_644 = arith.constant 0 : i32
      %dma_start3A_645 = tpu.memref_slice %arg5[%dma_start3A_643, %dma_start3A_644] : memref<100000x64xf32, #tpu.memory_space<hbm>> -> memref<100000x64xf32, #tpu.memory_space<hbm>>
      %dma_start3A_646 = tpu.memref_slice %arg10[%dma_start3A_635] : memref<8x!tpu.dma_semaphore, #tpu.memory_space<semaphore_mem>> -> memref<1x!tpu.dma_semaphore, #tpu.memory_space<semaphore_mem>>
      %dma_start3A_647 = tpu.memref_squeeze %dma_start3A_646 : memref<1x!tpu.dma_semaphore, #tpu.memory_space<semaphore_mem>> -> memref<!tpu.dma_semaphore, #tpu.memory_space<semaphore_mem>>
      tpu.enqueue_indirect_dma source(%dma_start3A_645 : memref<100000x64xf32, #tpu.memory_space<hbm>>) target(%dma_start3A_639 : memref<104x64xf32, #tpu.memory_space<vmem>>) offsets(%dma_start3A_642 : memref<104xi32, #tpu.memory_space<vmem>>) semaphore(%dma_start3A_647 : memref<!tpu.dma_semaphore, #tpu.memory_space<semaphore_mem>>) {add = true}
      %mul3A_648 = arith.constant 4 : i32
      %mul3A_649 = arith.muli %scan3A_215, %mul3A_648 : i32
      %add3A_650 = arith.constant 3 : i32
      %add3A_651 = arith.addi %mul3A_649, %add3A_650 : i32
      %dma_wait3A_652 = arith.constant 7 : i32
      %dma_wait3A_653 = arith.constant 7 : i32
      %dma_wait3A_654 = arith.constant 0 : i32
      %dma_wait3A_655 = arith.constant 0 : i32
      %dma_wait3A_656 = tpu.memref_slice %arg9[%dma_wait3A_652, %dma_wait3A_654, %dma_wait3A_655] : memref<8x104x64xf32, #tpu.memory_space<vmem>> -> memref<1x96x64xf32, #tpu.memory_space<vmem>>
      %dma_wait3A_657 = tpu.memref_squeeze %dma_wait3A_656 : memref<1x96x64xf32, #tpu.memory_space<vmem>> -> memref<96x64xf32, #tpu.memory_space<vmem>>
      %dma_wait3A_658 = arith.constant 104 : i32
      %dma_wait3A_659 = tpu.memref_slice %arg7[%add3A_651, %dma_wait3A_658] : memref<128x200xi32, #tpu.memory_space<vmem>> -> memref<1x96xi32, #tpu.memory_space<vmem>>
      %dma_wait3A_660 = tpu.memref_squeeze %dma_wait3A_659 : memref<1x96xi32, #tpu.memory_space<vmem>> -> memref<96xi32, #tpu.memory_space<vmem>>
      %dma_wait3A_661 = arith.constant 0 : i32
      %dma_wait3A_662 = arith.constant 0 : i32
      %dma_wait3A_663 = tpu.memref_slice %arg4[%dma_wait3A_661, %dma_wait3A_662] : memref<100000x64xf32, #tpu.memory_space<hbm>> -> memref<100000x64xf32, #tpu.memory_space<hbm>>
      %dma_wait3A_664 = tpu.memref_slice %arg10[%dma_wait3A_653] : memref<8x!tpu.dma_semaphore, #tpu.memory_space<semaphore_mem>> -> memref<1x!tpu.dma_semaphore, #tpu.memory_space<semaphore_mem>>
      %dma_wait3A_665 = tpu.memref_squeeze %dma_wait3A_664 : memref<1x!tpu.dma_semaphore, #tpu.memory_space<semaphore_mem>> -> memref<!tpu.dma_semaphore, #tpu.memory_space<semaphore_mem>>
      tpu.wait_indirect_dma semaphore(%dma_wait3A_665 : memref<!tpu.dma_semaphore, #tpu.memory_space<semaphore_mem>>) src(%dma_wait3A_663 : memref<100000x64xf32, #tpu.memory_space<hbm>>) dst(%dma_wait3A_657 : memref<96x64xf32, #tpu.memory_space<vmem>>)
      %mul3A_666 = arith.constant 4 : i32
      %mul3A_667 = arith.muli %scan3A_215, %mul3A_666 : i32
      %add3A_668 = arith.constant 3 : i32
      %add3A_669 = arith.addi %mul3A_667, %add3A_668 : i32
      %dma_start3A_670 = arith.constant 7 : i32
      %dma_start3A_671 = arith.constant 7 : i32
      %dma_start3A_672 = arith.constant 0 : i32
      %dma_start3A_673 = arith.constant 0 : i32
      %dma_start3A_674 = tpu.memref_slice %arg9[%dma_start3A_670, %dma_start3A_672, %dma_start3A_673] : memref<8x104x64xf32, #tpu.memory_space<vmem>> -> memref<1x96x64xf32, #tpu.memory_space<vmem>>
      %dma_start3A_675 = tpu.memref_squeeze %dma_start3A_674 : memref<1x96x64xf32, #tpu.memory_space<vmem>> -> memref<96x64xf32, #tpu.memory_space<vmem>>
      %dma_start3A_676 = arith.constant 104 : i32
      %dma_start3A_677 = tpu.memref_slice %arg8[%add3A_669, %dma_start3A_676] : memref<128x200xi32, #tpu.memory_space<vmem>> -> memref<1x96xi32, #tpu.memory_space<vmem>>
      %dma_start3A_678 = tpu.memref_squeeze %dma_start3A_677 : memref<1x96xi32, #tpu.memory_space<vmem>> -> memref<96xi32, #tpu.memory_space<vmem>>
      %dma_start3A_679 = arith.constant 0 : i32
      %dma_start3A_680 = arith.constant 0 : i32
      %dma_start3A_681 = tpu.memref_slice %arg5[%dma_start3A_679, %dma_start3A_680] : memref<100000x64xf32, #tpu.memory_space<hbm>> -> memref<100000x64xf32, #tpu.memory_space<hbm>>
      %dma_start3A_682 = tpu.memref_slice %arg10[%dma_start3A_671] : memref<8x!tpu.dma_semaphore, #tpu.memory_space<semaphore_mem>> -> memref<1x!tpu.dma_semaphore, #tpu.memory_space<semaphore_mem>>
      %dma_start3A_683 = tpu.memref_squeeze %dma_start3A_682 : memref<1x!tpu.dma_semaphore, #tpu.memory_space<semaphore_mem>> -> memref<!tpu.dma_semaphore, #tpu.memory_space<semaphore_mem>>
      tpu.enqueue_indirect_dma source(%dma_start3A_681 : memref<100000x64xf32, #tpu.memory_space<hbm>>) target(%dma_start3A_675 : memref<96x64xf32, #tpu.memory_space<vmem>>) offsets(%dma_start3A_678 : memref<96xi32, #tpu.memory_space<vmem>>) semaphore(%dma_start3A_683 : memref<!tpu.dma_semaphore, #tpu.memory_space<semaphore_mem>>) {add = true}
      %mul3A_684 = arith.constant 4 : i32
      %mul3A_685 = arith.muli %scan3A_215, %mul3A_684 : i32
      %add3A_686 = arith.constant 0 : i32
      %add3A_687 = arith.addi %mul3A_685, %add3A_686 : i32
      %dma_wait3A_688 = arith.constant 0 : i32
      %dma_wait3A_689 = arith.constant 0 : i32
      %dma_wait3A_690 = arith.constant 0 : i32
      %dma_wait3A_691 = arith.constant 0 : i32
      %dma_wait3A_692 = tpu.memref_slice %arg9[%dma_wait3A_688, %dma_wait3A_690, %dma_wait3A_691] : memref<8x104x64xf32, #tpu.memory_space<vmem>> -> memref<1x104x64xf32, #tpu.memory_space<vmem>>
      %dma_wait3A_693 = tpu.memref_squeeze %dma_wait3A_692 : memref<1x104x64xf32, #tpu.memory_space<vmem>> -> memref<104x64xf32, #tpu.memory_space<vmem>>
      %dma_wait3A_694 = arith.constant 0 : i32
      %dma_wait3A_695 = tpu.memref_slice %arg8[%add3A_687, %dma_wait3A_694] : memref<128x200xi32, #tpu.memory_space<vmem>> -> memref<1x104xi32, #tpu.memory_space<vmem>>
      %dma_wait3A_696 = tpu.memref_squeeze %dma_wait3A_695 : memref<1x104xi32, #tpu.memory_space<vmem>> -> memref<104xi32, #tpu.memory_space<vmem>>
      %dma_wait3A_697 = arith.constant 0 : i32
      %dma_wait3A_698 = arith.constant 0 : i32
      %dma_wait3A_699 = tpu.memref_slice %arg5[%dma_wait3A_697, %dma_wait3A_698] : memref<100000x64xf32, #tpu.memory_space<hbm>> -> memref<100000x64xf32, #tpu.memory_space<hbm>>
      %dma_wait3A_700 = tpu.memref_slice %arg10[%dma_wait3A_689] : memref<8x!tpu.dma_semaphore, #tpu.memory_space<semaphore_mem>> -> memref<1x!tpu.dma_semaphore, #tpu.memory_space<semaphore_mem>>
      %dma_wait3A_701 = tpu.memref_squeeze %dma_wait3A_700 : memref<1x!tpu.dma_semaphore, #tpu.memory_space<semaphore_mem>> -> memref<!tpu.dma_semaphore, #tpu.memory_space<semaphore_mem>>
      tpu.wait_indirect_dma semaphore(%dma_wait3A_701 : memref<!tpu.dma_semaphore, #tpu.memory_space<semaphore_mem>>) src(%dma_wait3A_699 : memref<100000x64xf32, #tpu.memory_space<hbm>>) dst(%dma_wait3A_693 : memref<104x64xf32, #tpu.memory_space<vmem>>)
      %mul3A_702 = arith.constant 128 : i32
      %mul3A_703 = arith.muli %add3A, %mul3A_702 : i32
      %mul3A_704 = arith.constant 4 : i32
      %mul3A_705 = arith.muli %scan3A_215, %mul3A_704 : i32
      %add3A_706 = arith.addi %mul3A_703, %mul3A_705 : i32
      %add3A_707 = arith.constant 0 : i32
      %add3A_708 = arith.addi %add3A_706, %add3A_707 : i32
      %dma_start3A_709 = arith.constant 0 : i32
      %dma_start3A_710 = arith.constant 0 : i32
      %dma_start3A_711 = arith.constant 0 : i32
      %dma_start3A_712 = arith.constant 0 : i32
      %dma_start3A_713 = tpu.memref_slice %arg9[%dma_start3A_709, %dma_start3A_711, %dma_start3A_712] : memref<8x104x64xf32, #tpu.memory_space<vmem>> -> memref<1x104x64xf32, #tpu.memory_space<vmem>>
      %dma_start3A_714 = tpu.memref_squeeze %dma_start3A_713 : memref<1x104x64xf32, #tpu.memory_space<vmem>> -> memref<104x64xf32, #tpu.memory_space<vmem>>
      %dma_start3A_715 = arith.constant 0 : i32
      %dma_start3A_716 = arith.constant 0 : i32
      %dma_start3A_717 = tpu.memref_slice %arg6[%add3A_708, %dma_start3A_715, %dma_start3A_716] : memref<4096x200x128xf32, #tpu.memory_space<hbm>> -> memref<1x104x64xf32, #tpu.memory_space<hbm>>
      %dma_start3A_718 = tpu.memref_squeeze %dma_start3A_717 : memref<1x104x64xf32, #tpu.memory_space<hbm>> -> memref<104x64xf32, #tpu.memory_space<hbm>>
      %dma_start3A_719 = tpu.memref_slice %arg10[%dma_start3A_710] : memref<8x!tpu.dma_semaphore, #tpu.memory_space<semaphore_mem>> -> memref<1x!tpu.dma_semaphore, #tpu.memory_space<semaphore_mem>>
      %dma_start3A_720 = tpu.memref_squeeze %dma_start3A_719 : memref<1x!tpu.dma_semaphore, #tpu.memory_space<semaphore_mem>> -> memref<!tpu.dma_semaphore, #tpu.memory_space<semaphore_mem>>
      %dma_start3A_721 = arith.constant 0 : i32
      %dma_start3A_722 = arith.constant 0 : i32
      %dma_start3A_723 = tpu.memref_slice %arg6[%add3A_708, %dma_start3A_721, %dma_start3A_722] : memref<4096x200x128xf32, #tpu.memory_space<hbm>> -> memref<1x104x64xf32, #tpu.memory_space<hbm>>
      %dma_start3A_724 = tpu.memref_squeeze %dma_start3A_723 : memref<1x104x64xf32, #tpu.memory_space<hbm>> -> memref<104x64xf32, #tpu.memory_space<hbm>>
      %dma_start3A_725 = arith.constant 0 : i32
      %dma_start3A_726 = arith.constant 0 : i32
      %dma_start3A_727 = tpu.memref_slice %arg9[%dma_start3A_709, %dma_start3A_725, %dma_start3A_726] : memref<8x104x64xf32, #tpu.memory_space<vmem>> -> memref<1x104x64xf32, #tpu.memory_space<vmem>>
      %dma_start3A_728 = tpu.memref_squeeze %dma_start3A_727 : memref<1x104x64xf32, #tpu.memory_space<vmem>> -> memref<104x64xf32, #tpu.memory_space<vmem>>
      tpu.enqueue_dma source(%dma_start3A_728 : memref<104x64xf32, #tpu.memory_space<vmem>>) target(%dma_start3A_724 : memref<104x64xf32, #tpu.memory_space<hbm>>) target_semaphore(%dma_start3A_720 : memref<!tpu.dma_semaphore, #tpu.memory_space<semaphore_mem>>)
      %mul3A_729 = arith.constant 4 : i32
      %mul3A_730 = arith.muli %scan3A_215, %mul3A_729 : i32
      %add3A_731 = arith.constant 0 : i32
      %add3A_732 = arith.addi %mul3A_730, %add3A_731 : i32
      %dma_wait3A_733 = arith.constant 1 : i32
      %dma_wait3A_734 = arith.constant 1 : i32
      %dma_wait3A_735 = arith.constant 0 : i32
      %dma_wait3A_736 = arith.constant 0 : i32
      %dma_wait3A_737 = tpu.memref_slice %arg9[%dma_wait3A_733, %dma_wait3A_735, %dma_wait3A_736] : memref<8x104x64xf32, #tpu.memory_space<vmem>> -> memref<1x96x64xf32, #tpu.memory_space<vmem>>
      %dma_wait3A_738 = tpu.memref_squeeze %dma_wait3A_737 : memref<1x96x64xf32, #tpu.memory_space<vmem>> -> memref<96x64xf32, #tpu.memory_space<vmem>>
      %dma_wait3A_739 = arith.constant 104 : i32
      %dma_wait3A_740 = tpu.memref_slice %arg8[%add3A_732, %dma_wait3A_739] : memref<128x200xi32, #tpu.memory_space<vmem>> -> memref<1x96xi32, #tpu.memory_space<vmem>>
      %dma_wait3A_741 = tpu.memref_squeeze %dma_wait3A_740 : memref<1x96xi32, #tpu.memory_space<vmem>> -> memref<96xi32, #tpu.memory_space<vmem>>
      %dma_wait3A_742 = arith.constant 0 : i32
      %dma_wait3A_743 = arith.constant 0 : i32
      %dma_wait3A_744 = tpu.memref_slice %arg5[%dma_wait3A_742, %dma_wait3A_743] : memref<100000x64xf32, #tpu.memory_space<hbm>> -> memref<100000x64xf32, #tpu.memory_space<hbm>>
      %dma_wait3A_745 = tpu.memref_slice %arg10[%dma_wait3A_734] : memref<8x!tpu.dma_semaphore, #tpu.memory_space<semaphore_mem>> -> memref<1x!tpu.dma_semaphore, #tpu.memory_space<semaphore_mem>>
      %dma_wait3A_746 = tpu.memref_squeeze %dma_wait3A_745 : memref<1x!tpu.dma_semaphore, #tpu.memory_space<semaphore_mem>> -> memref<!tpu.dma_semaphore, #tpu.memory_space<semaphore_mem>>
      tpu.wait_indirect_dma semaphore(%dma_wait3A_746 : memref<!tpu.dma_semaphore, #tpu.memory_space<semaphore_mem>>) src(%dma_wait3A_744 : memref<100000x64xf32, #tpu.memory_space<hbm>>) dst(%dma_wait3A_738 : memref<96x64xf32, #tpu.memory_space<vmem>>)
      %mul3A_747 = arith.constant 128 : i32
      %mul3A_748 = arith.muli %add3A, %mul3A_747 : i32
      %mul3A_749 = arith.constant 4 : i32
      %mul3A_750 = arith.muli %scan3A_215, %mul3A_749 : i32
      %add3A_751 = arith.addi %mul3A_748, %mul3A_750 : i32
      %add3A_752 = arith.constant 0 : i32
      %add3A_753 = arith.addi %add3A_751, %add3A_752 : i32
      %dma_start3A_754 = arith.constant 1 : i32
      %dma_start3A_755 = arith.constant 1 : i32
      %dma_start3A_756 = arith.constant 0 : i32
      %dma_start3A_757 = arith.constant 0 : i32
      %dma_start3A_758 = tpu.memref_slice %arg9[%dma_start3A_754, %dma_start3A_756, %dma_start3A_757] : memref<8x104x64xf32, #tpu.memory_space<vmem>> -> memref<1x96x64xf32, #tpu.memory_space<vmem>>
      %dma_start3A_759 = tpu.memref_squeeze %dma_start3A_758 : memref<1x96x64xf32, #tpu.memory_space<vmem>> -> memref<96x64xf32, #tpu.memory_space<vmem>>
      %dma_start3A_760 = arith.constant 104 : i32
      %dma_start3A_761 = arith.constant 0 : i32
      %dma_start3A_762 = tpu.memref_slice %arg6[%add3A_753, %dma_start3A_760, %dma_start3A_761] : memref<4096x200x128xf32, #tpu.memory_space<hbm>> -> memref<1x96x64xf32, #tpu.memory_space<hbm>>
      %dma_start3A_763 = tpu.memref_squeeze %dma_start3A_762 : memref<1x96x64xf32, #tpu.memory_space<hbm>> -> memref<96x64xf32, #tpu.memory_space<hbm>>
      %dma_start3A_764 = tpu.memref_slice %arg10[%dma_start3A_755] : memref<8x!tpu.dma_semaphore, #tpu.memory_space<semaphore_mem>> -> memref<1x!tpu.dma_semaphore, #tpu.memory_space<semaphore_mem>>
      %dma_start3A_765 = tpu.memref_squeeze %dma_start3A_764 : memref<1x!tpu.dma_semaphore, #tpu.memory_space<semaphore_mem>> -> memref<!tpu.dma_semaphore, #tpu.memory_space<semaphore_mem>>
      %dma_start3A_766 = arith.constant 104 : i32
      %dma_start3A_767 = arith.constant 0 : i32
      %dma_start3A_768 = tpu.memref_slice %arg6[%add3A_753, %dma_start3A_766, %dma_start3A_767] : memref<4096x200x128xf32, #tpu.memory_space<hbm>> -> memref<1x96x64xf32, #tpu.memory_space<hbm>>
      %dma_start3A_769 = tpu.memref_squeeze %dma_start3A_768 : memref<1x96x64xf32, #tpu.memory_space<hbm>> -> memref<96x64xf32, #tpu.memory_space<hbm>>
      %dma_start3A_770 = arith.constant 0 : i32
      %dma_start3A_771 = arith.constant 0 : i32
      %dma_start3A_772 = tpu.memref_slice %arg9[%dma_start3A_754, %dma_start3A_770, %dma_start3A_771] : memref<8x104x64xf32, #tpu.memory_space<vmem>> -> memref<1x96x64xf32, #tpu.memory_space<vmem>>
      %dma_start3A_773 = tpu.memref_squeeze %dma_start3A_772 : memref<1x96x64xf32, #tpu.memory_space<vmem>> -> memref<96x64xf32, #tpu.memory_space<vmem>>
      tpu.enqueue_dma source(%dma_start3A_773 : memref<96x64xf32, #tpu.memory_space<vmem>>) target(%dma_start3A_769 : memref<96x64xf32, #tpu.memory_space<hbm>>) target_semaphore(%dma_start3A_765 : memref<!tpu.dma_semaphore, #tpu.memory_space<semaphore_mem>>)
      %mul3A_774 = arith.constant 4 : i32
      %mul3A_775 = arith.muli %scan3A_215, %mul3A_774 : i32
      %add3A_776 = arith.constant 1 : i32
      %add3A_777 = arith.addi %mul3A_775, %add3A_776 : i32
      %dma_wait3A_778 = arith.constant 2 : i32
      %dma_wait3A_779 = arith.constant 2 : i32
      %dma_wait3A_780 = arith.constant 0 : i32
      %dma_wait3A_781 = arith.constant 0 : i32
      %dma_wait3A_782 = tpu.memref_slice %arg9[%dma_wait3A_778, %dma_wait3A_780, %dma_wait3A_781] : memref<8x104x64xf32, #tpu.memory_space<vmem>> -> memref<1x104x64xf32, #tpu.memory_space<vmem>>
      %dma_wait3A_783 = tpu.memref_squeeze %dma_wait3A_782 : memref<1x104x64xf32, #tpu.memory_space<vmem>> -> memref<104x64xf32, #tpu.memory_space<vmem>>
      %dma_wait3A_784 = arith.constant 0 : i32
      %dma_wait3A_785 = tpu.memref_slice %arg8[%add3A_777, %dma_wait3A_784] : memref<128x200xi32, #tpu.memory_space<vmem>> -> memref<1x104xi32, #tpu.memory_space<vmem>>
      %dma_wait3A_786 = tpu.memref_squeeze %dma_wait3A_785 : memref<1x104xi32, #tpu.memory_space<vmem>> -> memref<104xi32, #tpu.memory_space<vmem>>
      %dma_wait3A_787 = arith.constant 0 : i32
      %dma_wait3A_788 = arith.constant 0 : i32
      %dma_wait3A_789 = tpu.memref_slice %arg5[%dma_wait3A_787, %dma_wait3A_788] : memref<100000x64xf32, #tpu.memory_space<hbm>> -> memref<100000x64xf32, #tpu.memory_space<hbm>>
      %dma_wait3A_790 = tpu.memref_slice %arg10[%dma_wait3A_779] : memref<8x!tpu.dma_semaphore, #tpu.memory_space<semaphore_mem>> -> memref<1x!tpu.dma_semaphore, #tpu.memory_space<semaphore_mem>>
      %dma_wait3A_791 = tpu.memref_squeeze %dma_wait3A_790 : memref<1x!tpu.dma_semaphore, #tpu.memory_space<semaphore_mem>> -> memref<!tpu.dma_semaphore, #tpu.memory_space<semaphore_mem>>
      tpu.wait_indirect_dma semaphore(%dma_wait3A_791 : memref<!tpu.dma_semaphore, #tpu.memory_space<semaphore_mem>>) src(%dma_wait3A_789 : memref<100000x64xf32, #tpu.memory_space<hbm>>) dst(%dma_wait3A_783 : memref<104x64xf32, #tpu.memory_space<vmem>>)
      %mul3A_792 = arith.constant 128 : i32
      %mul3A_793 = arith.muli %add3A, %mul3A_792 : i32
      %mul3A_794 = arith.constant 4 : i32
      %mul3A_795 = arith.muli %scan3A_215, %mul3A_794 : i32
      %add3A_796 = arith.addi %mul3A_793, %mul3A_795 : i32
      %add3A_797 = arith.constant 1 : i32
      %add3A_798 = arith.addi %add3A_796, %add3A_797 : i32
      %dma_start3A_799 = arith.constant 2 : i32
      %dma_start3A_800 = arith.constant 2 : i32
      %dma_start3A_801 = arith.constant 0 : i32
      %dma_start3A_802 = arith.constant 0 : i32
      %dma_start3A_803 = tpu.memref_slice %arg9[%dma_start3A_799, %dma_start3A_801, %dma_start3A_802] : memref<8x104x64xf32, #tpu.memory_space<vmem>> -> memref<1x104x64xf32, #tpu.memory_space<vmem>>
      %dma_start3A_804 = tpu.memref_squeeze %dma_start3A_803 : memref<1x104x64xf32, #tpu.memory_space<vmem>> -> memref<104x64xf32, #tpu.memory_space<vmem>>
      %dma_start3A_805 = arith.constant 0 : i32
      %dma_start3A_806 = arith.constant 0 : i32
      %dma_start3A_807 = tpu.memref_slice %arg6[%add3A_798, %dma_start3A_805, %dma_start3A_806] : memref<4096x200x128xf32, #tpu.memory_space<hbm>> -> memref<1x104x64xf32, #tpu.memory_space<hbm>>
      %dma_start3A_808 = tpu.memref_squeeze %dma_start3A_807 : memref<1x104x64xf32, #tpu.memory_space<hbm>> -> memref<104x64xf32, #tpu.memory_space<hbm>>
      %dma_start3A_809 = tpu.memref_slice %arg10[%dma_start3A_800] : memref<8x!tpu.dma_semaphore, #tpu.memory_space<semaphore_mem>> -> memref<1x!tpu.dma_semaphore, #tpu.memory_space<semaphore_mem>>
      %dma_start3A_810 = tpu.memref_squeeze %dma_start3A_809 : memref<1x!tpu.dma_semaphore, #tpu.memory_space<semaphore_mem>> -> memref<!tpu.dma_semaphore, #tpu.memory_space<semaphore_mem>>
      %dma_start3A_811 = arith.constant 0 : i32
      %dma_start3A_812 = arith.constant 0 : i32
      %dma_start3A_813 = tpu.memref_slice %arg6[%add3A_798, %dma_start3A_811, %dma_start3A_812] : memref<4096x200x128xf32, #tpu.memory_space<hbm>> -> memref<1x104x64xf32, #tpu.memory_space<hbm>>
      %dma_start3A_814 = tpu.memref_squeeze %dma_start3A_813 : memref<1x104x64xf32, #tpu.memory_space<hbm>> -> memref<104x64xf32, #tpu.memory_space<hbm>>
      %dma_start3A_815 = arith.constant 0 : i32
      %dma_start3A_816 = arith.constant 0 : i32
      %dma_start3A_817 = tpu.memref_slice %arg9[%dma_start3A_799, %dma_start3A_815, %dma_start3A_816] : memref<8x104x64xf32, #tpu.memory_space<vmem>> -> memref<1x104x64xf32, #tpu.memory_space<vmem>>
      %dma_start3A_818 = tpu.memref_squeeze %dma_start3A_817 : memref<1x104x64xf32, #tpu.memory_space<vmem>> -> memref<104x64xf32, #tpu.memory_space<vmem>>
      tpu.enqueue_dma source(%dma_start3A_818 : memref<104x64xf32, #tpu.memory_space<vmem>>) target(%dma_start3A_814 : memref<104x64xf32, #tpu.memory_space<hbm>>) target_semaphore(%dma_start3A_810 : memref<!tpu.dma_semaphore, #tpu.memory_space<semaphore_mem>>)
      %mul3A_819 = arith.constant 4 : i32
      %mul3A_820 = arith.muli %scan3A_215, %mul3A_819 : i32
      %add3A_821 = arith.constant 1 : i32
      %add3A_822 = arith.addi %mul3A_820, %add3A_821 : i32
      %dma_wait3A_823 = arith.constant 3 : i32
      %dma_wait3A_824 = arith.constant 3 : i32
      %dma_wait3A_825 = arith.constant 0 : i32
      %dma_wait3A_826 = arith.constant 0 : i32
      %dma_wait3A_827 = tpu.memref_slice %arg9[%dma_wait3A_823, %dma_wait3A_825, %dma_wait3A_826] : memref<8x104x64xf32, #tpu.memory_space<vmem>> -> memref<1x96x64xf32, #tpu.memory_space<vmem>>
      %dma_wait3A_828 = tpu.memref_squeeze %dma_wait3A_827 : memref<1x96x64xf32, #tpu.memory_space<vmem>> -> memref<96x64xf32, #tpu.memory_space<vmem>>
      %dma_wait3A_829 = arith.constant 104 : i32
      %dma_wait3A_830 = tpu.memref_slice %arg8[%add3A_822, %dma_wait3A_829] : memref<128x200xi32, #tpu.memory_space<vmem>> -> memref<1x96xi32, #tpu.memory_space<vmem>>
      %dma_wait3A_831 = tpu.memref_squeeze %dma_wait3A_830 : memref<1x96xi32, #tpu.memory_space<vmem>> -> memref<96xi32, #tpu.memory_space<vmem>>
      %dma_wait3A_832 = arith.constant 0 : i32
      %dma_wait3A_833 = arith.constant 0 : i32
      %dma_wait3A_834 = tpu.memref_slice %arg5[%dma_wait3A_832, %dma_wait3A_833] : memref<100000x64xf32, #tpu.memory_space<hbm>> -> memref<100000x64xf32, #tpu.memory_space<hbm>>
      %dma_wait3A_835 = tpu.memref_slice %arg10[%dma_wait3A_824] : memref<8x!tpu.dma_semaphore, #tpu.memory_space<semaphore_mem>> -> memref<1x!tpu.dma_semaphore, #tpu.memory_space<semaphore_mem>>
      %dma_wait3A_836 = tpu.memref_squeeze %dma_wait3A_835 : memref<1x!tpu.dma_semaphore, #tpu.memory_space<semaphore_mem>> -> memref<!tpu.dma_semaphore, #tpu.memory_space<semaphore_mem>>
      tpu.wait_indirect_dma semaphore(%dma_wait3A_836 : memref<!tpu.dma_semaphore, #tpu.memory_space<semaphore_mem>>) src(%dma_wait3A_834 : memref<100000x64xf32, #tpu.memory_space<hbm>>) dst(%dma_wait3A_828 : memref<96x64xf32, #tpu.memory_space<vmem>>)
      %mul3A_837 = arith.constant 128 : i32
      %mul3A_838 = arith.muli %add3A, %mul3A_837 : i32
      %mul3A_839 = arith.constant 4 : i32
      %mul3A_840 = arith.muli %scan3A_215, %mul3A_839 : i32
      %add3A_841 = arith.addi %mul3A_838, %mul3A_840 : i32
      %add3A_842 = arith.constant 1 : i32
      %add3A_843 = arith.addi %add3A_841, %add3A_842 : i32
      %dma_start3A_844 = arith.constant 3 : i32
      %dma_start3A_845 = arith.constant 3 : i32
      %dma_start3A_846 = arith.constant 0 : i32
      %dma_start3A_847 = arith.constant 0 : i32
      %dma_start3A_848 = tpu.memref_slice %arg9[%dma_start3A_844, %dma_start3A_846, %dma_start3A_847] : memref<8x104x64xf32, #tpu.memory_space<vmem>> -> memref<1x96x64xf32, #tpu.memory_space<vmem>>
      %dma_start3A_849 = tpu.memref_squeeze %dma_start3A_848 : memref<1x96x64xf32, #tpu.memory_space<vmem>> -> memref<96x64xf32, #tpu.memory_space<vmem>>
      %dma_start3A_850 = arith.constant 104 : i32
      %dma_start3A_851 = arith.constant 0 : i32
      %dma_start3A_852 = tpu.memref_slice %arg6[%add3A_843, %dma_start3A_850, %dma_start3A_851] : memref<4096x200x128xf32, #tpu.memory_space<hbm>> -> memref<1x96x64xf32, #tpu.memory_space<hbm>>
      %dma_start3A_853 = tpu.memref_squeeze %dma_start3A_852 : memref<1x96x64xf32, #tpu.memory_space<hbm>> -> memref<96x64xf32, #tpu.memory_space<hbm>>
      %dma_start3A_854 = tpu.memref_slice %arg10[%dma_start3A_845] : memref<8x!tpu.dma_semaphore, #tpu.memory_space<semaphore_mem>> -> memref<1x!tpu.dma_semaphore, #tpu.memory_space<semaphore_mem>>
      %dma_start3A_855 = tpu.memref_squeeze %dma_start3A_854 : memref<1x!tpu.dma_semaphore, #tpu.memory_space<semaphore_mem>> -> memref<!tpu.dma_semaphore, #tpu.memory_space<semaphore_mem>>
      %dma_start3A_856 = arith.constant 104 : i32
      %dma_start3A_857 = arith.constant 0 : i32
      %dma_start3A_858 = tpu.memref_slice %arg6[%add3A_843, %dma_start3A_856, %dma_start3A_857] : memref<4096x200x128xf32, #tpu.memory_space<hbm>> -> memref<1x96x64xf32, #tpu.memory_space<hbm>>
      %dma_start3A_859 = tpu.memref_squeeze %dma_start3A_858 : memref<1x96x64xf32, #tpu.memory_space<hbm>> -> memref<96x64xf32, #tpu.memory_space<hbm>>
      %dma_start3A_860 = arith.constant 0 : i32
      %dma_start3A_861 = arith.constant 0 : i32
      %dma_start3A_862 = tpu.memref_slice %arg9[%dma_start3A_844, %dma_start3A_860, %dma_start3A_861] : memref<8x104x64xf32, #tpu.memory_space<vmem>> -> memref<1x96x64xf32, #tpu.memory_space<vmem>>
      %dma_start3A_863 = tpu.memref_squeeze %dma_start3A_862 : memref<1x96x64xf32, #tpu.memory_space<vmem>> -> memref<96x64xf32, #tpu.memory_space<vmem>>
      tpu.enqueue_dma source(%dma_start3A_863 : memref<96x64xf32, #tpu.memory_space<vmem>>) target(%dma_start3A_859 : memref<96x64xf32, #tpu.memory_space<hbm>>) target_semaphore(%dma_start3A_855 : memref<!tpu.dma_semaphore, #tpu.memory_space<semaphore_mem>>)
      %mul3A_864 = arith.constant 4 : i32
      %mul3A_865 = arith.muli %scan3A_215, %mul3A_864 : i32
      %add3A_866 = arith.constant 2 : i32
      %add3A_867 = arith.addi %mul3A_865, %add3A_866 : i32
      %dma_wait3A_868 = arith.constant 4 : i32
      %dma_wait3A_869 = arith.constant 4 : i32
      %dma_wait3A_870 = arith.constant 0 : i32
      %dma_wait3A_871 = arith.constant 0 : i32
      %dma_wait3A_872 = tpu.memref_slice %arg9[%dma_wait3A_868, %dma_wait3A_870, %dma_wait3A_871] : memref<8x104x64xf32, #tpu.memory_space<vmem>> -> memref<1x104x64xf32, #tpu.memory_space<vmem>>
      %dma_wait3A_873 = tpu.memref_squeeze %dma_wait3A_872 : memref<1x104x64xf32, #tpu.memory_space<vmem>> -> memref<104x64xf32, #tpu.memory_space<vmem>>
      %dma_wait3A_874 = arith.constant 0 : i32
      %dma_wait3A_875 = tpu.memref_slice %arg8[%add3A_867, %dma_wait3A_874] : memref<128x200xi32, #tpu.memory_space<vmem>> -> memref<1x104xi32, #tpu.memory_space<vmem>>
      %dma_wait3A_876 = tpu.memref_squeeze %dma_wait3A_875 : memref<1x104xi32, #tpu.memory_space<vmem>> -> memref<104xi32, #tpu.memory_space<vmem>>
      %dma_wait3A_877 = arith.constant 0 : i32
      %dma_wait3A_878 = arith.constant 0 : i32
      %dma_wait3A_879 = tpu.memref_slice %arg5[%dma_wait3A_877, %dma_wait3A_878] : memref<100000x64xf32, #tpu.memory_space<hbm>> -> memref<100000x64xf32, #tpu.memory_space<hbm>>
      %dma_wait3A_880 = tpu.memref_slice %arg10[%dma_wait3A_869] : memref<8x!tpu.dma_semaphore, #tpu.memory_space<semaphore_mem>> -> memref<1x!tpu.dma_semaphore, #tpu.memory_space<semaphore_mem>>
      %dma_wait3A_881 = tpu.memref_squeeze %dma_wait3A_880 : memref<1x!tpu.dma_semaphore, #tpu.memory_space<semaphore_mem>> -> memref<!tpu.dma_semaphore, #tpu.memory_space<semaphore_mem>>
      tpu.wait_indirect_dma semaphore(%dma_wait3A_881 : memref<!tpu.dma_semaphore, #tpu.memory_space<semaphore_mem>>) src(%dma_wait3A_879 : memref<100000x64xf32, #tpu.memory_space<hbm>>) dst(%dma_wait3A_873 : memref<104x64xf32, #tpu.memory_space<vmem>>)
      %mul3A_882 = arith.constant 128 : i32
      %mul3A_883 = arith.muli %add3A, %mul3A_882 : i32
      %mul3A_884 = arith.constant 4 : i32
      %mul3A_885 = arith.muli %scan3A_215, %mul3A_884 : i32
      %add3A_886 = arith.addi %mul3A_883, %mul3A_885 : i32
      %add3A_887 = arith.constant 2 : i32
      %add3A_888 = arith.addi %add3A_886, %add3A_887 : i32
      %dma_start3A_889 = arith.constant 4 : i32
      %dma_start3A_890 = arith.constant 4 : i32
      %dma_start3A_891 = arith.constant 0 : i32
      %dma_start3A_892 = arith.constant 0 : i32
      %dma_start3A_893 = tpu.memref_slice %arg9[%dma_start3A_889, %dma_start3A_891, %dma_start3A_892] : memref<8x104x64xf32, #tpu.memory_space<vmem>> -> memref<1x104x64xf32, #tpu.memory_space<vmem>>
      %dma_start3A_894 = tpu.memref_squeeze %dma_start3A_893 : memref<1x104x64xf32, #tpu.memory_space<vmem>> -> memref<104x64xf32, #tpu.memory_space<vmem>>
      %dma_start3A_895 = arith.constant 0 : i32
      %dma_start3A_896 = arith.constant 0 : i32
      %dma_start3A_897 = tpu.memref_slice %arg6[%add3A_888, %dma_start3A_895, %dma_start3A_896] : memref<4096x200x128xf32, #tpu.memory_space<hbm>> -> memref<1x104x64xf32, #tpu.memory_space<hbm>>
      %dma_start3A_898 = tpu.memref_squeeze %dma_start3A_897 : memref<1x104x64xf32, #tpu.memory_space<hbm>> -> memref<104x64xf32, #tpu.memory_space<hbm>>
      %dma_start3A_899 = tpu.memref_slice %arg10[%dma_start3A_890] : memref<8x!tpu.dma_semaphore, #tpu.memory_space<semaphore_mem>> -> memref<1x!tpu.dma_semaphore, #tpu.memory_space<semaphore_mem>>
      %dma_start3A_900 = tpu.memref_squeeze %dma_start3A_899 : memref<1x!tpu.dma_semaphore, #tpu.memory_space<semaphore_mem>> -> memref<!tpu.dma_semaphore, #tpu.memory_space<semaphore_mem>>
      %dma_start3A_901 = arith.constant 0 : i32
      %dma_start3A_902 = arith.constant 0 : i32
      %dma_start3A_903 = tpu.memref_slice %arg6[%add3A_888, %dma_start3A_901, %dma_start3A_902] : memref<4096x200x128xf32, #tpu.memory_space<hbm>> -> memref<1x104x64xf32, #tpu.memory_space<hbm>>
      %dma_start3A_904 = tpu.memref_squeeze %dma_start3A_903 : memref<1x104x64xf32, #tpu.memory_space<hbm>> -> memref<104x64xf32, #tpu.memory_space<hbm>>
      %dma_start3A_905 = arith.constant 0 : i32
      %dma_start3A_906 = arith.constant 0 : i32
      %dma_start3A_907 = tpu.memref_slice %arg9[%dma_start3A_889, %dma_start3A_905, %dma_start3A_906] : memref<8x104x64xf32, #tpu.memory_space<vmem>> -> memref<1x104x64xf32, #tpu.memory_space<vmem>>
      %dma_start3A_908 = tpu.memref_squeeze %dma_start3A_907 : memref<1x104x64xf32, #tpu.memory_space<vmem>> -> memref<104x64xf32, #tpu.memory_space<vmem>>
      tpu.enqueue_dma source(%dma_start3A_908 : memref<104x64xf32, #tpu.memory_space<vmem>>) target(%dma_start3A_904 : memref<104x64xf32, #tpu.memory_space<hbm>>) target_semaphore(%dma_start3A_900 : memref<!tpu.dma_semaphore, #tpu.memory_space<semaphore_mem>>)
      %mul3A_909 = arith.constant 4 : i32
      %mul3A_910 = arith.muli %scan3A_215, %mul3A_909 : i32
      %add3A_911 = arith.constant 2 : i32
      %add3A_912 = arith.addi %mul3A_910, %add3A_911 : i32
      %dma_wait3A_913 = arith.constant 5 : i32
      %dma_wait3A_914 = arith.constant 5 : i32
      %dma_wait3A_915 = arith.constant 0 : i32
      %dma_wait3A_916 = arith.constant 0 : i32
      %dma_wait3A_917 = tpu.memref_slice %arg9[%dma_wait3A_913, %dma_wait3A_915, %dma_wait3A_916] : memref<8x104x64xf32, #tpu.memory_space<vmem>> -> memref<1x96x64xf32, #tpu.memory_space<vmem>>
      %dma_wait3A_918 = tpu.memref_squeeze %dma_wait3A_917 : memref<1x96x64xf32, #tpu.memory_space<vmem>> -> memref<96x64xf32, #tpu.memory_space<vmem>>
      %dma_wait3A_919 = arith.constant 104 : i32
      %dma_wait3A_920 = tpu.memref_slice %arg8[%add3A_912, %dma_wait3A_919] : memref<128x200xi32, #tpu.memory_space<vmem>> -> memref<1x96xi32, #tpu.memory_space<vmem>>
      %dma_wait3A_921 = tpu.memref_squeeze %dma_wait3A_920 : memref<1x96xi32, #tpu.memory_space<vmem>> -> memref<96xi32, #tpu.memory_space<vmem>>
      %dma_wait3A_922 = arith.constant 0 : i32
      %dma_wait3A_923 = arith.constant 0 : i32
      %dma_wait3A_924 = tpu.memref_slice %arg5[%dma_wait3A_922, %dma_wait3A_923] : memref<100000x64xf32, #tpu.memory_space<hbm>> -> memref<100000x64xf32, #tpu.memory_space<hbm>>
      %dma_wait3A_925 = tpu.memref_slice %arg10[%dma_wait3A_914] : memref<8x!tpu.dma_semaphore, #tpu.memory_space<semaphore_mem>> -> memref<1x!tpu.dma_semaphore, #tpu.memory_space<semaphore_mem>>
      %dma_wait3A_926 = tpu.memref_squeeze %dma_wait3A_925 : memref<1x!tpu.dma_semaphore, #tpu.memory_space<semaphore_mem>> -> memref<!tpu.dma_semaphore, #tpu.memory_space<semaphore_mem>>
      tpu.wait_indirect_dma semaphore(%dma_wait3A_926 : memref<!tpu.dma_semaphore, #tpu.memory_space<semaphore_mem>>) src(%dma_wait3A_924 : memref<100000x64xf32, #tpu.memory_space<hbm>>) dst(%dma_wait3A_918 : memref<96x64xf32, #tpu.memory_space<vmem>>)
      %mul3A_927 = arith.constant 128 : i32
      %mul3A_928 = arith.muli %add3A, %mul3A_927 : i32
      %mul3A_929 = arith.constant 4 : i32
      %mul3A_930 = arith.muli %scan3A_215, %mul3A_929 : i32
      %add3A_931 = arith.addi %mul3A_928, %mul3A_930 : i32
      %add3A_932 = arith.constant 2 : i32
      %add3A_933 = arith.addi %add3A_931, %add3A_932 : i32
      %dma_start3A_934 = arith.constant 5 : i32
      %dma_start3A_935 = arith.constant 5 : i32
      %dma_start3A_936 = arith.constant 0 : i32
      %dma_start3A_937 = arith.constant 0 : i32
      %dma_start3A_938 = tpu.memref_slice %arg9[%dma_start3A_934, %dma_start3A_936, %dma_start3A_937] : memref<8x104x64xf32, #tpu.memory_space<vmem>> -> memref<1x96x64xf32, #tpu.memory_space<vmem>>
      %dma_start3A_939 = tpu.memref_squeeze %dma_start3A_938 : memref<1x96x64xf32, #tpu.memory_space<vmem>> -> memref<96x64xf32, #tpu.memory_space<vmem>>
      %dma_start3A_940 = arith.constant 104 : i32
      %dma_start3A_941 = arith.constant 0 : i32
      %dma_start3A_942 = tpu.memref_slice %arg6[%add3A_933, %dma_start3A_940, %dma_start3A_941] : memref<4096x200x128xf32, #tpu.memory_space<hbm>> -> memref<1x96x64xf32, #tpu.memory_space<hbm>>
      %dma_start3A_943 = tpu.memref_squeeze %dma_start3A_942 : memref<1x96x64xf32, #tpu.memory_space<hbm>> -> memref<96x64xf32, #tpu.memory_space<hbm>>
      %dma_start3A_944 = tpu.memref_slice %arg10[%dma_start3A_935] : memref<8x!tpu.dma_semaphore, #tpu.memory_space<semaphore_mem>> -> memref<1x!tpu.dma_semaphore, #tpu.memory_space<semaphore_mem>>
      %dma_start3A_945 = tpu.memref_squeeze %dma_start3A_944 : memref<1x!tpu.dma_semaphore, #tpu.memory_space<semaphore_mem>> -> memref<!tpu.dma_semaphore, #tpu.memory_space<semaphore_mem>>
      %dma_start3A_946 = arith.constant 104 : i32
      %dma_start3A_947 = arith.constant 0 : i32
      %dma_start3A_948 = tpu.memref_slice %arg6[%add3A_933, %dma_start3A_946, %dma_start3A_947] : memref<4096x200x128xf32, #tpu.memory_space<hbm>> -> memref<1x96x64xf32, #tpu.memory_space<hbm>>
      %dma_start3A_949 = tpu.memref_squeeze %dma_start3A_948 : memref<1x96x64xf32, #tpu.memory_space<hbm>> -> memref<96x64xf32, #tpu.memory_space<hbm>>
      %dma_start3A_950 = arith.constant 0 : i32
      %dma_start3A_951 = arith.constant 0 : i32
      %dma_start3A_952 = tpu.memref_slice %arg9[%dma_start3A_934, %dma_start3A_950, %dma_start3A_951] : memref<8x104x64xf32, #tpu.memory_space<vmem>> -> memref<1x96x64xf32, #tpu.memory_space<vmem>>
      %dma_start3A_953 = tpu.memref_squeeze %dma_start3A_952 : memref<1x96x64xf32, #tpu.memory_space<vmem>> -> memref<96x64xf32, #tpu.memory_space<vmem>>
      tpu.enqueue_dma source(%dma_start3A_953 : memref<96x64xf32, #tpu.memory_space<vmem>>) target(%dma_start3A_949 : memref<96x64xf32, #tpu.memory_space<hbm>>) target_semaphore(%dma_start3A_945 : memref<!tpu.dma_semaphore, #tpu.memory_space<semaphore_mem>>)
      %mul3A_954 = arith.constant 4 : i32
      %mul3A_955 = arith.muli %scan3A_215, %mul3A_954 : i32
      %add3A_956 = arith.constant 3 : i32
      %add3A_957 = arith.addi %mul3A_955, %add3A_956 : i32
      %dma_wait3A_958 = arith.constant 6 : i32
      %dma_wait3A_959 = arith.constant 6 : i32
      %dma_wait3A_960 = arith.constant 0 : i32
      %dma_wait3A_961 = arith.constant 0 : i32
      %dma_wait3A_962 = tpu.memref_slice %arg9[%dma_wait3A_958, %dma_wait3A_960, %dma_wait3A_961] : memref<8x104x64xf32, #tpu.memory_space<vmem>> -> memref<1x104x64xf32, #tpu.memory_space<vmem>>
      %dma_wait3A_963 = tpu.memref_squeeze %dma_wait3A_962 : memref<1x104x64xf32, #tpu.memory_space<vmem>> -> memref<104x64xf32, #tpu.memory_space<vmem>>
      %dma_wait3A_964 = arith.constant 0 : i32
      %dma_wait3A_965 = tpu.memref_slice %arg8[%add3A_957, %dma_wait3A_964] : memref<128x200xi32, #tpu.memory_space<vmem>> -> memref<1x104xi32, #tpu.memory_space<vmem>>
      %dma_wait3A_966 = tpu.memref_squeeze %dma_wait3A_965 : memref<1x104xi32, #tpu.memory_space<vmem>> -> memref<104xi32, #tpu.memory_space<vmem>>
      %dma_wait3A_967 = arith.constant 0 : i32
      %dma_wait3A_968 = arith.constant 0 : i32
      %dma_wait3A_969 = tpu.memref_slice %arg5[%dma_wait3A_967, %dma_wait3A_968] : memref<100000x64xf32, #tpu.memory_space<hbm>> -> memref<100000x64xf32, #tpu.memory_space<hbm>>
      %dma_wait3A_970 = tpu.memref_slice %arg10[%dma_wait3A_959] : memref<8x!tpu.dma_semaphore, #tpu.memory_space<semaphore_mem>> -> memref<1x!tpu.dma_semaphore, #tpu.memory_space<semaphore_mem>>
      %dma_wait3A_971 = tpu.memref_squeeze %dma_wait3A_970 : memref<1x!tpu.dma_semaphore, #tpu.memory_space<semaphore_mem>> -> memref<!tpu.dma_semaphore, #tpu.memory_space<semaphore_mem>>
      tpu.wait_indirect_dma semaphore(%dma_wait3A_971 : memref<!tpu.dma_semaphore, #tpu.memory_space<semaphore_mem>>) src(%dma_wait3A_969 : memref<100000x64xf32, #tpu.memory_space<hbm>>) dst(%dma_wait3A_963 : memref<104x64xf32, #tpu.memory_space<vmem>>)
      %mul3A_972 = arith.constant 128 : i32
      %mul3A_973 = arith.muli %add3A, %mul3A_972 : i32
      %mul3A_974 = arith.constant 4 : i32
      %mul3A_975 = arith.muli %scan3A_215, %mul3A_974 : i32
      %add3A_976 = arith.addi %mul3A_973, %mul3A_975 : i32
      %add3A_977 = arith.constant 3 : i32
      %add3A_978 = arith.addi %add3A_976, %add3A_977 : i32
      %dma_start3A_979 = arith.constant 6 : i32
      %dma_start3A_980 = arith.constant 6 : i32
      %dma_start3A_981 = arith.constant 0 : i32
      %dma_start3A_982 = arith.constant 0 : i32
      %dma_start3A_983 = tpu.memref_slice %arg9[%dma_start3A_979, %dma_start3A_981, %dma_start3A_982] : memref<8x104x64xf32, #tpu.memory_space<vmem>> -> memref<1x104x64xf32, #tpu.memory_space<vmem>>
      %dma_start3A_984 = tpu.memref_squeeze %dma_start3A_983 : memref<1x104x64xf32, #tpu.memory_space<vmem>> -> memref<104x64xf32, #tpu.memory_space<vmem>>
      %dma_start3A_985 = arith.constant 0 : i32
      %dma_start3A_986 = arith.constant 0 : i32
      %dma_start3A_987 = tpu.memref_slice %arg6[%add3A_978, %dma_start3A_985, %dma_start3A_986] : memref<4096x200x128xf32, #tpu.memory_space<hbm>> -> memref<1x104x64xf32, #tpu.memory_space<hbm>>
      %dma_start3A_988 = tpu.memref_squeeze %dma_start3A_987 : memref<1x104x64xf32, #tpu.memory_space<hbm>> -> memref<104x64xf32, #tpu.memory_space<hbm>>
      %dma_start3A_989 = tpu.memref_slice %arg10[%dma_start3A_980] : memref<8x!tpu.dma_semaphore, #tpu.memory_space<semaphore_mem>> -> memref<1x!tpu.dma_semaphore, #tpu.memory_space<semaphore_mem>>
      %dma_start3A_990 = tpu.memref_squeeze %dma_start3A_989 : memref<1x!tpu.dma_semaphore, #tpu.memory_space<semaphore_mem>> -> memref<!tpu.dma_semaphore, #tpu.memory_space<semaphore_mem>>
      %dma_start3A_991 = arith.constant 0 : i32
      %dma_start3A_992 = arith.constant 0 : i32
      %dma_start3A_993 = tpu.memref_slice %arg6[%add3A_978, %dma_start3A_991, %dma_start3A_992] : memref<4096x200x128xf32, #tpu.memory_space<hbm>> -> memref<1x104x64xf32, #tpu.memory_space<hbm>>
      %dma_start3A_994 = tpu.memref_squeeze %dma_start3A_993 : memref<1x104x64xf32, #tpu.memory_space<hbm>> -> memref<104x64xf32, #tpu.memory_space<hbm>>
      %dma_start3A_995 = arith.constant 0 : i32
      %dma_start3A_996 = arith.constant 0 : i32
      %dma_start3A_997 = tpu.memref_slice %arg9[%dma_start3A_979, %dma_start3A_995, %dma_start3A_996] : memref<8x104x64xf32, #tpu.memory_space<vmem>> -> memref<1x104x64xf32, #tpu.memory_space<vmem>>
      %dma_start3A_998 = tpu.memref_squeeze %dma_start3A_997 : memref<1x104x64xf32, #tpu.memory_space<vmem>> -> memref<104x64xf32, #tpu.memory_space<vmem>>
      tpu.enqueue_dma source(%dma_start3A_998 : memref<104x64xf32, #tpu.memory_space<vmem>>) target(%dma_start3A_994 : memref<104x64xf32, #tpu.memory_space<hbm>>) target_semaphore(%dma_start3A_990 : memref<!tpu.dma_semaphore, #tpu.memory_space<semaphore_mem>>)
      %mul3A_999 = arith.constant 4 : i32
      %mul3A_1000 = arith.muli %scan3A_215, %mul3A_999 : i32
      %add3A_1001 = arith.constant 3 : i32
      %add3A_1002 = arith.addi %mul3A_1000, %add3A_1001 : i32
      %dma_wait3A_1003 = arith.constant 7 : i32
      %dma_wait3A_1004 = arith.constant 7 : i32
      %dma_wait3A_1005 = arith.constant 0 : i32
      %dma_wait3A_1006 = arith.constant 0 : i32
      %dma_wait3A_1007 = tpu.memref_slice %arg9[%dma_wait3A_1003, %dma_wait3A_1005, %dma_wait3A_1006] : memref<8x104x64xf32, #tpu.memory_space<vmem>> -> memref<1x96x64xf32, #tpu.memory_space<vmem>>
      %dma_wait3A_1008 = tpu.memref_squeeze %dma_wait3A_1007 : memref<1x96x64xf32, #tpu.memory_space<vmem>> -> memref<96x64xf32, #tpu.memory_space<vmem>>
      %dma_wait3A_1009 = arith.constant 104 : i32
      %dma_wait3A_1010 = tpu.memref_slice %arg8[%add3A_1002, %dma_wait3A_1009] : memref<128x200xi32, #tpu.memory_space<vmem>> -> memref<1x96xi32, #tpu.memory_space<vmem>>
      %dma_wait3A_1011 = tpu.memref_squeeze %dma_wait3A_1010 : memref<1x96xi32, #tpu.memory_space<vmem>> -> memref<96xi32, #tpu.memory_space<vmem>>
      %dma_wait3A_1012 = arith.constant 0 : i32
      %dma_wait3A_1013 = arith.constant 0 : i32
      %dma_wait3A_1014 = tpu.memref_slice %arg5[%dma_wait3A_1012, %dma_wait3A_1013] : memref<100000x64xf32, #tpu.memory_space<hbm>> -> memref<100000x64xf32, #tpu.memory_space<hbm>>
      %dma_wait3A_1015 = tpu.memref_slice %arg10[%dma_wait3A_1004] : memref<8x!tpu.dma_semaphore, #tpu.memory_space<semaphore_mem>> -> memref<1x!tpu.dma_semaphore, #tpu.memory_space<semaphore_mem>>
      %dma_wait3A_1016 = tpu.memref_squeeze %dma_wait3A_1015 : memref<1x!tpu.dma_semaphore, #tpu.memory_space<semaphore_mem>> -> memref<!tpu.dma_semaphore, #tpu.memory_space<semaphore_mem>>
      tpu.wait_indirect_dma semaphore(%dma_wait3A_1016 : memref<!tpu.dma_semaphore, #tpu.memory_space<semaphore_mem>>) src(%dma_wait3A_1014 : memref<100000x64xf32, #tpu.memory_space<hbm>>) dst(%dma_wait3A_1008 : memref<96x64xf32, #tpu.memory_space<vmem>>)
      %mul3A_1017 = arith.constant 128 : i32
      %mul3A_1018 = arith.muli %add3A, %mul3A_1017 : i32
      %mul3A_1019 = arith.constant 4 : i32
      %mul3A_1020 = arith.muli %scan3A_215, %mul3A_1019 : i32
      %add3A_1021 = arith.addi %mul3A_1018, %mul3A_1020 : i32
      %add3A_1022 = arith.constant 3 : i32
      %add3A_1023 = arith.addi %add3A_1021, %add3A_1022 : i32
      %dma_start3A_1024 = arith.constant 7 : i32
      %dma_start3A_1025 = arith.constant 7 : i32
      %dma_start3A_1026 = arith.constant 0 : i32
      %dma_start3A_1027 = arith.constant 0 : i32
      %dma_start3A_1028 = tpu.memref_slice %arg9[%dma_start3A_1024, %dma_start3A_1026, %dma_start3A_1027] : memref<8x104x64xf32, #tpu.memory_space<vmem>> -> memref<1x96x64xf32, #tpu.memory_space<vmem>>
      %dma_start3A_1029 = tpu.memref_squeeze %dma_start3A_1028 : memref<1x96x64xf32, #tpu.memory_space<vmem>> -> memref<96x64xf32, #tpu.memory_space<vmem>>
      %dma_start3A_1030 = arith.constant 104 : i32
      %dma_start3A_1031 = arith.constant 0 : i32
      %dma_start3A_1032 = tpu.memref_slice %arg6[%add3A_1023, %dma_start3A_1030, %dma_start3A_1031] : memref<4096x200x128xf32, #tpu.memory_space<hbm>> -> memref<1x96x64xf32, #tpu.memory_space<hbm>>
      %dma_start3A_1033 = tpu.memref_squeeze %dma_start3A_1032 : memref<1x96x64xf32, #tpu.memory_space<hbm>> -> memref<96x64xf32, #tpu.memory_space<hbm>>
      %dma_start3A_1034 = tpu.memref_slice %arg10[%dma_start3A_1025] : memref<8x!tpu.dma_semaphore, #tpu.memory_space<semaphore_mem>> -> memref<1x!tpu.dma_semaphore, #tpu.memory_space<semaphore_mem>>
      %dma_start3A_1035 = tpu.memref_squeeze %dma_start3A_1034 : memref<1x!tpu.dma_semaphore, #tpu.memory_space<semaphore_mem>> -> memref<!tpu.dma_semaphore, #tpu.memory_space<semaphore_mem>>
      %dma_start3A_1036 = arith.constant 104 : i32
      %dma_start3A_1037 = arith.constant 0 : i32
      %dma_start3A_1038 = tpu.memref_slice %arg6[%add3A_1023, %dma_start3A_1036, %dma_start3A_1037] : memref<4096x200x128xf32, #tpu.memory_space<hbm>> -> memref<1x96x64xf32, #tpu.memory_space<hbm>>
      %dma_start3A_1039 = tpu.memref_squeeze %dma_start3A_1038 : memref<1x96x64xf32, #tpu.memory_space<hbm>> -> memref<96x64xf32, #tpu.memory_space<hbm>>
      %dma_start3A_1040 = arith.constant 0 : i32
      %dma_start3A_1041 = arith.constant 0 : i32
      %dma_start3A_1042 = tpu.memref_slice %arg9[%dma_start3A_1024, %dma_start3A_1040, %dma_start3A_1041] : memref<8x104x64xf32, #tpu.memory_space<vmem>> -> memref<1x96x64xf32, #tpu.memory_space<vmem>>
      %dma_start3A_1043 = tpu.memref_squeeze %dma_start3A_1042 : memref<1x96x64xf32, #tpu.memory_space<vmem>> -> memref<96x64xf32, #tpu.memory_space<vmem>>
      tpu.enqueue_dma source(%dma_start3A_1043 : memref<96x64xf32, #tpu.memory_space<vmem>>) target(%dma_start3A_1039 : memref<96x64xf32, #tpu.memory_space<hbm>>) target_semaphore(%dma_start3A_1035 : memref<!tpu.dma_semaphore, #tpu.memory_space<semaphore_mem>>)
    }
    %scan3A_7 = arith.constant 32 : i32
    %mul3A_8 = arith.constant 128 : i32
    %mul3A_9 = arith.muli %add3A, %mul3A_8 : i32
    %add3A_10 = arith.constant 124 : i32
    %add3A_11 = arith.addi %mul3A_9, %add3A_10 : i32
    %add3A_12 = arith.constant 0 : i32
    %add3A_13 = arith.addi %add3A_11, %add3A_12 : i32
    %dma_wait3A = arith.constant 0 : i32
    %dma_wait3A_14 = arith.constant 0 : i32
    %dma_wait3A_15 = arith.constant 0 : i32
    %dma_wait3A_16 = arith.constant 0 : i32
    %dma_wait3A_17 = tpu.memref_slice %arg9[%dma_wait3A, %dma_wait3A_15, %dma_wait3A_16] : memref<8x104x64xf32, #tpu.memory_space<vmem>> -> memref<1x104x64xf32, #tpu.memory_space<vmem>>
    %dma_wait3A_18 = tpu.memref_squeeze %dma_wait3A_17 : memref<1x104x64xf32, #tpu.memory_space<vmem>> -> memref<104x64xf32, #tpu.memory_space<vmem>>
    %dma_wait3A_19 = arith.constant 0 : i32
    %dma_wait3A_20 = arith.constant 0 : i32
    %dma_wait3A_21 = tpu.memref_slice %arg6[%add3A_13, %dma_wait3A_19, %dma_wait3A_20] : memref<4096x200x128xf32, #tpu.memory_space<hbm>> -> memref<1x104x64xf32, #tpu.memory_space<hbm>>
    %dma_wait3A_22 = tpu.memref_squeeze %dma_wait3A_21 : memref<1x104x64xf32, #tpu.memory_space<hbm>> -> memref<104x64xf32, #tpu.memory_space<hbm>>
    %dma_wait3A_23 = tpu.memref_slice %arg10[%dma_wait3A_14] : memref<8x!tpu.dma_semaphore, #tpu.memory_space<semaphore_mem>> -> memref<1x!tpu.dma_semaphore, #tpu.memory_space<semaphore_mem>>
    %dma_wait3A_24 = tpu.memref_squeeze %dma_wait3A_23 : memref<1x!tpu.dma_semaphore, #tpu.memory_space<semaphore_mem>> -> memref<!tpu.dma_semaphore, #tpu.memory_space<semaphore_mem>>
    %dma_wait3A_25 = arith.constant 0 : i32
    %dma_wait3A_26 = arith.constant 0 : i32
    %dma_wait3A_27 = tpu.memref_slice %arg6[%add3A_13, %dma_wait3A_25, %dma_wait3A_26] : memref<4096x200x128xf32, #tpu.memory_space<hbm>> -> memref<1x104x64xf32, #tpu.memory_space<hbm>>
    %dma_wait3A_28 = tpu.memref_squeeze %dma_wait3A_27 : memref<1x104x64xf32, #tpu.memory_space<hbm>> -> memref<104x64xf32, #tpu.memory_space<hbm>>
    %dma_wait3A_29 = arith.constant 0 : i32
    %dma_wait3A_30 = arith.constant 0 : i32
    %dma_wait3A_31 = tpu.memref_slice %arg9[%dma_wait3A, %dma_wait3A_29, %dma_wait3A_30] : memref<8x104x64xf32, #tpu.memory_space<vmem>> -> memref<1x104x64xf32, #tpu.memory_space<vmem>>
    %dma_wait3A_32 = tpu.memref_squeeze %dma_wait3A_31 : memref<1x104x64xf32, #tpu.memory_space<vmem>> -> memref<104x64xf32, #tpu.memory_space<vmem>>
    tpu.wait_dma2 semaphore(%dma_wait3A_24 : memref<!tpu.dma_semaphore, #tpu.memory_space<semaphore_mem>>) src(%dma_wait3A_32 : memref<104x64xf32, #tpu.memory_space<vmem>>) dst(%dma_wait3A_28 : memref<104x64xf32, #tpu.memory_space<hbm>>)
    %mul3A_33 = arith.constant 128 : i32
    %mul3A_34 = arith.muli %add3A, %mul3A_33 : i32
    %add3A_35 = arith.constant 124 : i32
    %add3A_36 = arith.addi %mul3A_34, %add3A_35 : i32
    %add3A_37 = arith.constant 0 : i32
    %add3A_38 = arith.addi %add3A_36, %add3A_37 : i32
    %dma_wait3A_39 = arith.constant 1 : i32
    %dma_wait3A_40 = arith.constant 1 : i32
    %dma_wait3A_41 = arith.constant 0 : i32
    %dma_wait3A_42 = arith.constant 0 : i32
    %dma_wait3A_43 = tpu.memref_slice %arg9[%dma_wait3A_39, %dma_wait3A_41, %dma_wait3A_42] : memref<8x104x64xf32, #tpu.memory_space<vmem>> -> memref<1x96x64xf32, #tpu.memory_space<vmem>>
    %dma_wait3A_44 = tpu.memref_squeeze %dma_wait3A_43 : memref<1x96x64xf32, #tpu.memory_space<vmem>> -> memref<96x64xf32, #tpu.memory_space<vmem>>
    %dma_wait3A_45 = arith.constant 104 : i32
    %dma_wait3A_46 = arith.constant 0 : i32
    %dma_wait3A_47 = tpu.memref_slice %arg6[%add3A_38, %dma_wait3A_45, %dma_wait3A_46] : memref<4096x200x128xf32, #tpu.memory_space<hbm>> -> memref<1x96x64xf32, #tpu.memory_space<hbm>>
    %dma_wait3A_48 = tpu.memref_squeeze %dma_wait3A_47 : memref<1x96x64xf32, #tpu.memory_space<hbm>> -> memref<96x64xf32, #tpu.memory_space<hbm>>
    %dma_wait3A_49 = tpu.memref_slice %arg10[%dma_wait3A_40] : memref<8x!tpu.dma_semaphore, #tpu.memory_space<semaphore_mem>> -> memref<1x!tpu.dma_semaphore, #tpu.memory_space<semaphore_mem>>
    %dma_wait3A_50 = tpu.memref_squeeze %dma_wait3A_49 : memref<1x!tpu.dma_semaphore, #tpu.memory_space<semaphore_mem>> -> memref<!tpu.dma_semaphore, #tpu.memory_space<semaphore_mem>>
    %dma_wait3A_51 = arith.constant 104 : i32
    %dma_wait3A_52 = arith.constant 0 : i32
    %dma_wait3A_53 = tpu.memref_slice %arg6[%add3A_38, %dma_wait3A_51, %dma_wait3A_52] : memref<4096x200x128xf32, #tpu.memory_space<hbm>> -> memref<1x96x64xf32, #tpu.memory_space<hbm>>
    %dma_wait3A_54 = tpu.memref_squeeze %dma_wait3A_53 : memref<1x96x64xf32, #tpu.memory_space<hbm>> -> memref<96x64xf32, #tpu.memory_space<hbm>>
    %dma_wait3A_55 = arith.constant 0 : i32
    %dma_wait3A_56 = arith.constant 0 : i32
    %dma_wait3A_57 = tpu.memref_slice %arg9[%dma_wait3A_39, %dma_wait3A_55, %dma_wait3A_56] : memref<8x104x64xf32, #tpu.memory_space<vmem>> -> memref<1x96x64xf32, #tpu.memory_space<vmem>>
    %dma_wait3A_58 = tpu.memref_squeeze %dma_wait3A_57 : memref<1x96x64xf32, #tpu.memory_space<vmem>> -> memref<96x64xf32, #tpu.memory_space<vmem>>
    tpu.wait_dma2 semaphore(%dma_wait3A_50 : memref<!tpu.dma_semaphore, #tpu.memory_space<semaphore_mem>>) src(%dma_wait3A_58 : memref<96x64xf32, #tpu.memory_space<vmem>>) dst(%dma_wait3A_54 : memref<96x64xf32, #tpu.memory_space<hbm>>)
    %mul3A_59 = arith.constant 128 : i32
    %mul3A_60 = arith.muli %add3A, %mul3A_59 : i32
    %add3A_61 = arith.constant 124 : i32
    %add3A_62 = arith.addi %mul3A_60, %add3A_61 : i32
    %add3A_63 = arith.constant 1 : i32
    %add3A_64 = arith.addi %add3A_62, %add3A_63 : i32
    %dma_wait3A_65 = arith.constant 2 : i32
    %dma_wait3A_66 = arith.constant 2 : i32
    %dma_wait3A_67 = arith.constant 0 : i32
    %dma_wait3A_68 = arith.constant 0 : i32
    %dma_wait3A_69 = tpu.memref_slice %arg9[%dma_wait3A_65, %dma_wait3A_67, %dma_wait3A_68] : memref<8x104x64xf32, #tpu.memory_space<vmem>> -> memref<1x104x64xf32, #tpu.memory_space<vmem>>
    %dma_wait3A_70 = tpu.memref_squeeze %dma_wait3A_69 : memref<1x104x64xf32, #tpu.memory_space<vmem>> -> memref<104x64xf32, #tpu.memory_space<vmem>>
    %dma_wait3A_71 = arith.constant 0 : i32
    %dma_wait3A_72 = arith.constant 0 : i32
    %dma_wait3A_73 = tpu.memref_slice %arg6[%add3A_64, %dma_wait3A_71, %dma_wait3A_72] : memref<4096x200x128xf32, #tpu.memory_space<hbm>> -> memref<1x104x64xf32, #tpu.memory_space<hbm>>
    %dma_wait3A_74 = tpu.memref_squeeze %dma_wait3A_73 : memref<1x104x64xf32, #tpu.memory_space<hbm>> -> memref<104x64xf32, #tpu.memory_space<hbm>>
    %dma_wait3A_75 = tpu.memref_slice %arg10[%dma_wait3A_66] : memref<8x!tpu.dma_semaphore, #tpu.memory_space<semaphore_mem>> -> memref<1x!tpu.dma_semaphore, #tpu.memory_space<semaphore_mem>>
    %dma_wait3A_76 = tpu.memref_squeeze %dma_wait3A_75 : memref<1x!tpu.dma_semaphore, #tpu.memory_space<semaphore_mem>> -> memref<!tpu.dma_semaphore, #tpu.memory_space<semaphore_mem>>
    %dma_wait3A_77 = arith.constant 0 : i32
    %dma_wait3A_78 = arith.constant 0 : i32
    %dma_wait3A_79 = tpu.memref_slice %arg6[%add3A_64, %dma_wait3A_77, %dma_wait3A_78] : memref<4096x200x128xf32, #tpu.memory_space<hbm>> -> memref<1x104x64xf32, #tpu.memory_space<hbm>>
    %dma_wait3A_80 = tpu.memref_squeeze %dma_wait3A_79 : memref<1x104x64xf32, #tpu.memory_space<hbm>> -> memref<104x64xf32, #tpu.memory_space<hbm>>
    %dma_wait3A_81 = arith.constant 0 : i32
    %dma_wait3A_82 = arith.constant 0 : i32
    %dma_wait3A_83 = tpu.memref_slice %arg9[%dma_wait3A_65, %dma_wait3A_81, %dma_wait3A_82] : memref<8x104x64xf32, #tpu.memory_space<vmem>> -> memref<1x104x64xf32, #tpu.memory_space<vmem>>
    %dma_wait3A_84 = tpu.memref_squeeze %dma_wait3A_83 : memref<1x104x64xf32, #tpu.memory_space<vmem>> -> memref<104x64xf32, #tpu.memory_space<vmem>>
    tpu.wait_dma2 semaphore(%dma_wait3A_76 : memref<!tpu.dma_semaphore, #tpu.memory_space<semaphore_mem>>) src(%dma_wait3A_84 : memref<104x64xf32, #tpu.memory_space<vmem>>) dst(%dma_wait3A_80 : memref<104x64xf32, #tpu.memory_space<hbm>>)
    %mul3A_85 = arith.constant 128 : i32
    %mul3A_86 = arith.muli %add3A, %mul3A_85 : i32
    %add3A_87 = arith.constant 124 : i32
    %add3A_88 = arith.addi %mul3A_86, %add3A_87 : i32
    %add3A_89 = arith.constant 1 : i32
    %add3A_90 = arith.addi %add3A_88, %add3A_89 : i32
    %dma_wait3A_91 = arith.constant 3 : i32
    %dma_wait3A_92 = arith.constant 3 : i32
    %dma_wait3A_93 = arith.constant 0 : i32
    %dma_wait3A_94 = arith.constant 0 : i32
    %dma_wait3A_95 = tpu.memref_slice %arg9[%dma_wait3A_91, %dma_wait3A_93, %dma_wait3A_94] : memref<8x104x64xf32, #tpu.memory_space<vmem>> -> memref<1x96x64xf32, #tpu.memory_space<vmem>>
    %dma_wait3A_96 = tpu.memref_squeeze %dma_wait3A_95 : memref<1x96x64xf32, #tpu.memory_space<vmem>> -> memref<96x64xf32, #tpu.memory_space<vmem>>
    %dma_wait3A_97 = arith.constant 104 : i32
    %dma_wait3A_98 = arith.constant 0 : i32
    %dma_wait3A_99 = tpu.memref_slice %arg6[%add3A_90, %dma_wait3A_97, %dma_wait3A_98] : memref<4096x200x128xf32, #tpu.memory_space<hbm>> -> memref<1x96x64xf32, #tpu.memory_space<hbm>>
    %dma_wait3A_100 = tpu.memref_squeeze %dma_wait3A_99 : memref<1x96x64xf32, #tpu.memory_space<hbm>> -> memref<96x64xf32, #tpu.memory_space<hbm>>
    %dma_wait3A_101 = tpu.memref_slice %arg10[%dma_wait3A_92] : memref<8x!tpu.dma_semaphore, #tpu.memory_space<semaphore_mem>> -> memref<1x!tpu.dma_semaphore, #tpu.memory_space<semaphore_mem>>
    %dma_wait3A_102 = tpu.memref_squeeze %dma_wait3A_101 : memref<1x!tpu.dma_semaphore, #tpu.memory_space<semaphore_mem>> -> memref<!tpu.dma_semaphore, #tpu.memory_space<semaphore_mem>>
    %dma_wait3A_103 = arith.constant 104 : i32
    %dma_wait3A_104 = arith.constant 0 : i32
    %dma_wait3A_105 = tpu.memref_slice %arg6[%add3A_90, %dma_wait3A_103, %dma_wait3A_104] : memref<4096x200x128xf32, #tpu.memory_space<hbm>> -> memref<1x96x64xf32, #tpu.memory_space<hbm>>
    %dma_wait3A_106 = tpu.memref_squeeze %dma_wait3A_105 : memref<1x96x64xf32, #tpu.memory_space<hbm>> -> memref<96x64xf32, #tpu.memory_space<hbm>>
    %dma_wait3A_107 = arith.constant 0 : i32
    %dma_wait3A_108 = arith.constant 0 : i32
    %dma_wait3A_109 = tpu.memref_slice %arg9[%dma_wait3A_91, %dma_wait3A_107, %dma_wait3A_108] : memref<8x104x64xf32, #tpu.memory_space<vmem>> -> memref<1x96x64xf32, #tpu.memory_space<vmem>>
    %dma_wait3A_110 = tpu.memref_squeeze %dma_wait3A_109 : memref<1x96x64xf32, #tpu.memory_space<vmem>> -> memref<96x64xf32, #tpu.memory_space<vmem>>
    tpu.wait_dma2 semaphore(%dma_wait3A_102 : memref<!tpu.dma_semaphore, #tpu.memory_space<semaphore_mem>>) src(%dma_wait3A_110 : memref<96x64xf32, #tpu.memory_space<vmem>>) dst(%dma_wait3A_106 : memref<96x64xf32, #tpu.memory_space<hbm>>)
    %mul3A_111 = arith.constant 128 : i32
    %mul3A_112 = arith.muli %add3A, %mul3A_111 : i32
    %add3A_113 = arith.constant 124 : i32
    %add3A_114 = arith.addi %mul3A_112, %add3A_113 : i32
    %add3A_115 = arith.constant 2 : i32
    %add3A_116 = arith.addi %add3A_114, %add3A_115 : i32
    %dma_wait3A_117 = arith.constant 4 : i32
    %dma_wait3A_118 = arith.constant 4 : i32
    %dma_wait3A_119 = arith.constant 0 : i32
    %dma_wait3A_120 = arith.constant 0 : i32
    %dma_wait3A_121 = tpu.memref_slice %arg9[%dma_wait3A_117, %dma_wait3A_119, %dma_wait3A_120] : memref<8x104x64xf32, #tpu.memory_space<vmem>> -> memref<1x104x64xf32, #tpu.memory_space<vmem>>
    %dma_wait3A_122 = tpu.memref_squeeze %dma_wait3A_121 : memref<1x104x64xf32, #tpu.memory_space<vmem>> -> memref<104x64xf32, #tpu.memory_space<vmem>>
    %dma_wait3A_123 = arith.constant 0 : i32
    %dma_wait3A_124 = arith.constant 0 : i32
    %dma_wait3A_125 = tpu.memref_slice %arg6[%add3A_116, %dma_wait3A_123, %dma_wait3A_124] : memref<4096x200x128xf32, #tpu.memory_space<hbm>> -> memref<1x104x64xf32, #tpu.memory_space<hbm>>
    %dma_wait3A_126 = tpu.memref_squeeze %dma_wait3A_125 : memref<1x104x64xf32, #tpu.memory_space<hbm>> -> memref<104x64xf32, #tpu.memory_space<hbm>>
    %dma_wait3A_127 = tpu.memref_slice %arg10[%dma_wait3A_118] : memref<8x!tpu.dma_semaphore, #tpu.memory_space<semaphore_mem>> -> memref<1x!tpu.dma_semaphore, #tpu.memory_space<semaphore_mem>>
    %dma_wait3A_128 = tpu.memref_squeeze %dma_wait3A_127 : memref<1x!tpu.dma_semaphore, #tpu.memory_space<semaphore_mem>> -> memref<!tpu.dma_semaphore, #tpu.memory_space<semaphore_mem>>
    %dma_wait3A_129 = arith.constant 0 : i32
    %dma_wait3A_130 = arith.constant 0 : i32
    %dma_wait3A_131 = tpu.memref_slice %arg6[%add3A_116, %dma_wait3A_129, %dma_wait3A_130] : memref<4096x200x128xf32, #tpu.memory_space<hbm>> -> memref<1x104x64xf32, #tpu.memory_space<hbm>>
    %dma_wait3A_132 = tpu.memref_squeeze %dma_wait3A_131 : memref<1x104x64xf32, #tpu.memory_space<hbm>> -> memref<104x64xf32, #tpu.memory_space<hbm>>
    %dma_wait3A_133 = arith.constant 0 : i32
    %dma_wait3A_134 = arith.constant 0 : i32
    %dma_wait3A_135 = tpu.memref_slice %arg9[%dma_wait3A_117, %dma_wait3A_133, %dma_wait3A_134] : memref<8x104x64xf32, #tpu.memory_space<vmem>> -> memref<1x104x64xf32, #tpu.memory_space<vmem>>
    %dma_wait3A_136 = tpu.memref_squeeze %dma_wait3A_135 : memref<1x104x64xf32, #tpu.memory_space<vmem>> -> memref<104x64xf32, #tpu.memory_space<vmem>>
    tpu.wait_dma2 semaphore(%dma_wait3A_128 : memref<!tpu.dma_semaphore, #tpu.memory_space<semaphore_mem>>) src(%dma_wait3A_136 : memref<104x64xf32, #tpu.memory_space<vmem>>) dst(%dma_wait3A_132 : memref<104x64xf32, #tpu.memory_space<hbm>>)
    %mul3A_137 = arith.constant 128 : i32
    %mul3A_138 = arith.muli %add3A, %mul3A_137 : i32
    %add3A_139 = arith.constant 124 : i32
    %add3A_140 = arith.addi %mul3A_138, %add3A_139 : i32
    %add3A_141 = arith.constant 2 : i32
    %add3A_142 = arith.addi %add3A_140, %add3A_141 : i32
    %dma_wait3A_143 = arith.constant 5 : i32
    %dma_wait3A_144 = arith.constant 5 : i32
    %dma_wait3A_145 = arith.constant 0 : i32
    %dma_wait3A_146 = arith.constant 0 : i32
    %dma_wait3A_147 = tpu.memref_slice %arg9[%dma_wait3A_143, %dma_wait3A_145, %dma_wait3A_146] : memref<8x104x64xf32, #tpu.memory_space<vmem>> -> memref<1x96x64xf32, #tpu.memory_space<vmem>>
    %dma_wait3A_148 = tpu.memref_squeeze %dma_wait3A_147 : memref<1x96x64xf32, #tpu.memory_space<vmem>> -> memref<96x64xf32, #tpu.memory_space<vmem>>
    %dma_wait3A_149 = arith.constant 104 : i32
    %dma_wait3A_150 = arith.constant 0 : i32
    %dma_wait3A_151 = tpu.memref_slice %arg6[%add3A_142, %dma_wait3A_149, %dma_wait3A_150] : memref<4096x200x128xf32, #tpu.memory_space<hbm>> -> memref<1x96x64xf32, #tpu.memory_space<hbm>>
    %dma_wait3A_152 = tpu.memref_squeeze %dma_wait3A_151 : memref<1x96x64xf32, #tpu.memory_space<hbm>> -> memref<96x64xf32, #tpu.memory_space<hbm>>
    %dma_wait3A_153 = tpu.memref_slice %arg10[%dma_wait3A_144] : memref<8x!tpu.dma_semaphore, #tpu.memory_space<semaphore_mem>> -> memref<1x!tpu.dma_semaphore, #tpu.memory_space<semaphore_mem>>
    %dma_wait3A_154 = tpu.memref_squeeze %dma_wait3A_153 : memref<1x!tpu.dma_semaphore, #tpu.memory_space<semaphore_mem>> -> memref<!tpu.dma_semaphore, #tpu.memory_space<semaphore_mem>>
    %dma_wait3A_155 = arith.constant 104 : i32
    %dma_wait3A_156 = arith.constant 0 : i32
    %dma_wait3A_157 = tpu.memref_slice %arg6[%add3A_142, %dma_wait3A_155, %dma_wait3A_156] : memref<4096x200x128xf32, #tpu.memory_space<hbm>> -> memref<1x96x64xf32, #tpu.memory_space<hbm>>
    %dma_wait3A_158 = tpu.memref_squeeze %dma_wait3A_157 : memref<1x96x64xf32, #tpu.memory_space<hbm>> -> memref<96x64xf32, #tpu.memory_space<hbm>>
    %dma_wait3A_159 = arith.constant 0 : i32
    %dma_wait3A_160 = arith.constant 0 : i32
    %dma_wait3A_161 = tpu.memref_slice %arg9[%dma_wait3A_143, %dma_wait3A_159, %dma_wait3A_160] : memref<8x104x64xf32, #tpu.memory_space<vmem>> -> memref<1x96x64xf32, #tpu.memory_space<vmem>>
    %dma_wait3A_162 = tpu.memref_squeeze %dma_wait3A_161 : memref<1x96x64xf32, #tpu.memory_space<vmem>> -> memref<96x64xf32, #tpu.memory_space<vmem>>
    tpu.wait_dma2 semaphore(%dma_wait3A_154 : memref<!tpu.dma_semaphore, #tpu.memory_space<semaphore_mem>>) src(%dma_wait3A_162 : memref<96x64xf32, #tpu.memory_space<vmem>>) dst(%dma_wait3A_158 : memref<96x64xf32, #tpu.memory_space<hbm>>)
    %mul3A_163 = arith.constant 128 : i32
    %mul3A_164 = arith.muli %add3A, %mul3A_163 : i32
    %add3A_165 = arith.constant 124 : i32
    %add3A_166 = arith.addi %mul3A_164, %add3A_165 : i32
    %add3A_167 = arith.constant 3 : i32
    %add3A_168 = arith.addi %add3A_166, %add3A_167 : i32
    %dma_wait3A_169 = arith.constant 6 : i32
    %dma_wait3A_170 = arith.constant 6 : i32
    %dma_wait3A_171 = arith.constant 0 : i32
    %dma_wait3A_172 = arith.constant 0 : i32
    %dma_wait3A_173 = tpu.memref_slice %arg9[%dma_wait3A_169, %dma_wait3A_171, %dma_wait3A_172] : memref<8x104x64xf32, #tpu.memory_space<vmem>> -> memref<1x104x64xf32, #tpu.memory_space<vmem>>
    %dma_wait3A_174 = tpu.memref_squeeze %dma_wait3A_173 : memref<1x104x64xf32, #tpu.memory_space<vmem>> -> memref<104x64xf32, #tpu.memory_space<vmem>>
    %dma_wait3A_175 = arith.constant 0 : i32
    %dma_wait3A_176 = arith.constant 0 : i32
    %dma_wait3A_177 = tpu.memref_slice %arg6[%add3A_168, %dma_wait3A_175, %dma_wait3A_176] : memref<4096x200x128xf32, #tpu.memory_space<hbm>> -> memref<1x104x64xf32, #tpu.memory_space<hbm>>
    %dma_wait3A_178 = tpu.memref_squeeze %dma_wait3A_177 : memref<1x104x64xf32, #tpu.memory_space<hbm>> -> memref<104x64xf32, #tpu.memory_space<hbm>>
    %dma_wait3A_179 = tpu.memref_slice %arg10[%dma_wait3A_170] : memref<8x!tpu.dma_semaphore, #tpu.memory_space<semaphore_mem>> -> memref<1x!tpu.dma_semaphore, #tpu.memory_space<semaphore_mem>>
    %dma_wait3A_180 = tpu.memref_squeeze %dma_wait3A_179 : memref<1x!tpu.dma_semaphore, #tpu.memory_space<semaphore_mem>> -> memref<!tpu.dma_semaphore, #tpu.memory_space<semaphore_mem>>
    %dma_wait3A_181 = arith.constant 0 : i32
    %dma_wait3A_182 = arith.constant 0 : i32
    %dma_wait3A_183 = tpu.memref_slice %arg6[%add3A_168, %dma_wait3A_181, %dma_wait3A_182] : memref<4096x200x128xf32, #tpu.memory_space<hbm>> -> memref<1x104x64xf32, #tpu.memory_space<hbm>>
    %dma_wait3A_184 = tpu.memref_squeeze %dma_wait3A_183 : memref<1x104x64xf32, #tpu.memory_space<hbm>> -> memref<104x64xf32, #tpu.memory_space<hbm>>
    %dma_wait3A_185 = arith.constant 0 : i32
    %dma_wait3A_186 = arith.constant 0 : i32
    %dma_wait3A_187 = tpu.memref_slice %arg9[%dma_wait3A_169, %dma_wait3A_185, %dma_wait3A_186] : memref<8x104x64xf32, #tpu.memory_space<vmem>> -> memref<1x104x64xf32, #tpu.memory_space<vmem>>
    %dma_wait3A_188 = tpu.memref_squeeze %dma_wait3A_187 : memref<1x104x64xf32, #tpu.memory_space<vmem>> -> memref<104x64xf32, #tpu.memory_space<vmem>>
    tpu.wait_dma2 semaphore(%dma_wait3A_180 : memref<!tpu.dma_semaphore, #tpu.memory_space<semaphore_mem>>) src(%dma_wait3A_188 : memref<104x64xf32, #tpu.memory_space<vmem>>) dst(%dma_wait3A_184 : memref<104x64xf32, #tpu.memory_space<hbm>>)
    %mul3A_189 = arith.constant 128 : i32
    %mul3A_190 = arith.muli %add3A, %mul3A_189 : i32
    %add3A_191 = arith.constant 124 : i32
    %add3A_192 = arith.addi %mul3A_190, %add3A_191 : i32
    %add3A_193 = arith.constant 3 : i32
    %add3A_194 = arith.addi %add3A_192, %add3A_193 : i32
    %dma_wait3A_195 = arith.constant 7 : i32
    %dma_wait3A_196 = arith.constant 7 : i32
    %dma_wait3A_197 = arith.constant 0 : i32
    %dma_wait3A_198 = arith.constant 0 : i32
    %dma_wait3A_199 = tpu.memref_slice %arg9[%dma_wait3A_195, %dma_wait3A_197, %dma_wait3A_198] : memref<8x104x64xf32, #tpu.memory_space<vmem>> -> memref<1x96x64xf32, #tpu.memory_space<vmem>>
    %dma_wait3A_200 = tpu.memref_squeeze %dma_wait3A_199 : memref<1x96x64xf32, #tpu.memory_space<vmem>> -> memref<96x64xf32, #tpu.memory_space<vmem>>
    %dma_wait3A_201 = arith.constant 104 : i32
    %dma_wait3A_202 = arith.constant 0 : i32
    %dma_wait3A_203 = tpu.memref_slice %arg6[%add3A_194, %dma_wait3A_201, %dma_wait3A_202] : memref<4096x200x128xf32, #tpu.memory_space<hbm>> -> memref<1x96x64xf32, #tpu.memory_space<hbm>>
    %dma_wait3A_204 = tpu.memref_squeeze %dma_wait3A_203 : memref<1x96x64xf32, #tpu.memory_space<hbm>> -> memref<96x64xf32, #tpu.memory_space<hbm>>
    %dma_wait3A_205 = tpu.memref_slice %arg10[%dma_wait3A_196] : memref<8x!tpu.dma_semaphore, #tpu.memory_space<semaphore_mem>> -> memref<1x!tpu.dma_semaphore, #tpu.memory_space<semaphore_mem>>
    %dma_wait3A_206 = tpu.memref_squeeze %dma_wait3A_205 : memref<1x!tpu.dma_semaphore, #tpu.memory_space<semaphore_mem>> -> memref<!tpu.dma_semaphore, #tpu.memory_space<semaphore_mem>>
    %dma_wait3A_207 = arith.constant 104 : i32
    %dma_wait3A_208 = arith.constant 0 : i32
    %dma_wait3A_209 = tpu.memref_slice %arg6[%add3A_194, %dma_wait3A_207, %dma_wait3A_208] : memref<4096x200x128xf32, #tpu.memory_space<hbm>> -> memref<1x96x64xf32, #tpu.memory_space<hbm>>
    %dma_wait3A_210 = tpu.memref_squeeze %dma_wait3A_209 : memref<1x96x64xf32, #tpu.memory_space<hbm>> -> memref<96x64xf32, #tpu.memory_space<hbm>>
    %dma_wait3A_211 = arith.constant 0 : i32
    %dma_wait3A_212 = arith.constant 0 : i32
    %dma_wait3A_213 = tpu.memref_slice %arg9[%dma_wait3A_195, %dma_wait3A_211, %dma_wait3A_212] : memref<8x104x64xf32, #tpu.memory_space<vmem>> -> memref<1x96x64xf32, #tpu.memory_space<vmem>>
    %dma_wait3A_214 = tpu.memref_squeeze %dma_wait3A_213 : memref<1x96x64xf32, #tpu.memory_space<vmem>> -> memref<96x64xf32, #tpu.memory_space<vmem>>
    tpu.wait_dma2 semaphore(%dma_wait3A_206 : memref<!tpu.dma_semaphore, #tpu.memory_space<semaphore_mem>>) src(%dma_wait3A_214 : memref<96x64xf32, #tpu.memory_space<vmem>>) dst(%dma_wait3A_210 : memref<96x64xf32, #tpu.memory_space<hbm>>)
    return
  }
}

</mosaic_0001>

<sc_bundles>
// kernel: _dual_embed.3.cloned.1.call-start
scs
__scs_entry_jumppad:
0x0: {  	(pc) =	sbr.rel $0x88, $3  }
0x1: {  	(tag) =	ssettag $0x0;
	lr =	simm.s32 $0x1  }
0x2: {  	[smem:$0x3F9D] =	sst lr;
	_ =	strace $0xD0000000  }
0x3: {  	_ = 	snop  }
0x4: {  	_ = 	snop  }
0x5: {  	_ = 	snop  }
0x6: {  	_ = 	snop  }
0x7: {  	_ = 	snop  }
__scs_overlays_trampoline_lowered:
0x8: {  	[smem:$0x3FAC] =	sst s0  }
0x9: {  	[smem:$0x3FAD] =	sst s1  }
0xa: {  	[smem:$0x3FAE] =	sst s2  }
0xb: {  	[smem:$0x3FAF] =	sst s3  }
0xc: {  	[smem:$0x3FB0] =	sst s4  }
0xd: {  	[smem:$0x3FB1] =	sst s5  }
0xe: {  	[smem:$0x3FB2] =	sst s6  }
0xf: {  	[smem:$0x3FB3] =	sst s7  }
0x10: {  	[smem:$0x3FB4] =	sst s8  }
0x11: {  	[smem:$0x3FB5] =	sst s9;
	s0 =	simm.s32 @!p0 $0x0  }
0x12: {  	s1 =	sld [smem:$0x3F9B];
	s0 =	simm.s32 @p0 $0x1  }
0x13: {  	[smem:$0x3FB6] =	sst s0;
	s0 =	simm.s32 @!p1 $0x0  }
0x14: {  	s2 =	sld [smem:$0x3F9A];
	s0 =	simm.s32 @p1 $0x1  }
0x15: {  	[smem:$0x3FB7] =	sst s0;
	s0 =	simm.s32 @!p2 $0x0  }
0x16: {  	s3 =	sld [smem:$0x3FDB];
	s0 =	simm.s32 @p2 $0x1  }
0x17: {  	s4 =	simm.s32 $0x1BF5;
	[smem:$0x3FB9] =	sst s0  }
0x18: {  	s0 =	sld [smem:$0x3F9C];
	_ =	swait.ge [sflag:s4], $0x0  }
0x19: {  	s7 =	sld [smem:$0x3F9D]  }
0x1a: {  	s8 =	sadd.s32 $0xFFFFE003, lr  }
0x1b: {  	s9 =	sadd.s32 $0xFFFFFEF7, lr;
	s5 =	simm.s32 $0xFFFFFFFF;
	p2 =	slt.u32 s8, $0xFFFFF086  }
0x1c: {  	p1 =	slt.u32 s9, $0xF7A;
	s5 =	simm.s32 @!p2 $0x0  }
0x1d: {  	s5 =	simm.s32 @p1 $0x1;
	p0 =	seq.s32 s7, s2  }
0x1e: {  	s7 =	smul.u32 @!p0 $0xF7A, s2;
	p2 =	seq.s32 @!p0 s5, $0x0  }
0x1f: {  	s9 =	smul.u32 $0xF7A, s1;
	s8 =	simm.s32 @!p0 $0x1BF5;
	p2 =	por !p2, p0  }
0x20: {  	[sflag:s8] =	ssyncset.s32 @!p0 $0xFFFFF086;
	s6 =	sadd.s32 @!p0 s3, s7;
	s7 =	simm.s32 @!p0 $0x108  }
0x21: {  	s3 =	sadd.s32 s3, s9;
	s6 =	sadd.s32 @!p0 $0x88, s6;
	s7 =	simm.s32 @p2 $0x1082  }
0x22: {  	[simem:s7], [sflag:s8] =	dma.local @!p0 [hbm:s6], $0xF7A  }
0x23: {  	s9 =	sor.u32 $0xD0000000, s2;
	s6 =	simm.s32 $0x108;
	_ =	swait.ge @!p0 [sflag:s8], $0x0  }
0x24: {  	s3 =	sadd.s32 $0x88, s3;
	s6 =	simm.s32 @!p1 $0x1082;
	[sflag:s4] =	ssyncset.s32 $0xFFFFF086  }
0x25: {  	[simem:s6], [sflag:s4] =	dma.local [hbm:s3], $0xF7A  }
0x26: {  	[smem:$0x3F9D] =	sst s1;
	(tag) =	ssettag s2;
	_ =	strace s9  }
0x27: {  	s1 =	sld [smem:$0x3FAD]  }
0x28: {  	s2 =	sld [smem:$0x3FAE]  }
0x29: {  	s4 =	sld [smem:$0x3FB0]  }
0x2a: {  	p0 =	seq.s32 s5, $0x0;
	s5 =	sld [smem:$0x3FB1]  }
0x2b: {  	s6 =	sld [smem:$0x3FB2]  }
0x2c: {  	s7 =	sld [smem:$0x3FB3]  }
0x2d: {  	s3 =	simm.s32 $0x108;
	s8 =	sld [smem:$0x3FB4]  }
0x2e: {  	s3 =	simm.s32 @!p0 $0x1082;
	s9 =	sld [smem:$0x3FB5]  }
0x2f: {  	lr =	sadd.s32 s0, s3;
	s0 =	sld [smem:$0x3FAC]  }
0x30: {  	s3 =	sld [smem:$0x3FAF]  }
0x31: {  	[smem:$0x3FB8] =	sst s10  }
0x32: {  	s10 =	sld [smem:$0x3FB6];
	_ =	sdelay $0x3  }
0x33: {  	p0 =	seq.s32 s10, $0x1;
	s10 =	sld [smem:$0x3FB8];
	_ =	sdelay $0x3  }
0x34: {  	[smem:$0x3FB8] =	sst s10  }
0x35: {  	s10 =	sld [smem:$0x3FB7];
	_ =	sdelay $0x3  }
0x36: {  	p1 =	seq.s32 s10, $0x1;
	s10 =	sld [smem:$0x3FB8];
	_ =	sdelay $0x3  }
0x37: {  	[smem:$0x3FB8] =	sst s10  }
0x38: {  	s10 =	sld [smem:$0x3FB9]  }
0x39: {  	_ = 	snop;
	(pc) =	sbr.ind lr, $3  }
0x3a: {  	_ = 	snop  }
0x3b: {  	_ = 	snop  }
0x3c: {  	p2 =	seq.s32 s10, $0x1;
	s10 =	sld [smem:$0x3FB8]  }
0x3d: {  	_ =	shalt  }
0x3e: {  	_ =	shalt  }
0x3f: {  	_ =	shalt  }
0x40: {  	_ =	shalt  }
0x41: {  	_ =	shalt  }
0x42: {  	_ =	shalt  }
0x43: {  	_ =	shalt  }
0x44: {  	_ =	shalt  }
0x45: {  	_ =	shalt  }
0x46: {  	_ =	shalt  }
0x47: {  	_ =	shalt  }
0x48: {  	_ =	shalt  }
0x49: {  	_ =	shalt  }
0x4a: {  	_ =	shalt  }
0x4b: {  	_ =	shalt  }
0x4c: {  	_ =	shalt  }
0x4d: {  	_ =	shalt  }
0x4e: {  	_ =	shalt  }
0x4f: {  	_ =	shalt  }
0x50: {  	_ =	shalt  }
0x51: {  	_ =	shalt  }
0x52: {  	_ =	shalt  }
0x53: {  	_ =	shalt  }
0x54: {  	_ =	shalt  }
0x55: {  	_ =	shalt  }
0x56: {  	_ =	shalt  }
0x57: {  	_ =	shalt  }
0x58: {  	_ =	shalt  }
0x59: {  	_ =	shalt  }
0x5a: {  	_ =	shalt  }
0x5b: {  	_ =	shalt  }
0x5c: {  	_ =	shalt  }
0x5d: {  	_ =	shalt  }
0x5e: {  	_ =	shalt  }
0x5f: {  	_ =	shalt  }
0x60: {  	_ =	shalt  }
0x61: {  	_ =	shalt  }
0x62: {  	_ =	shalt  }
0x63: {  	_ =	shalt  }
0x64: {  	_ =	shalt  }
0x65: {  	_ =	shalt  }
0x66: {  	_ =	shalt  }
0x67: {  	_ =	shalt  }
0x68: {  	_ =	shalt  }
0x69: {  	_ =	shalt  }
0x6a: {  	_ =	shalt  }
0x6b: {  	_ =	shalt  }
0x6c: {  	_ =	shalt  }
0x6d: {  	_ =	shalt  }
0x6e: {  	_ =	shalt  }
0x6f: {  	_ =	shalt  }
0x70: {  	_ =	shalt  }
0x71: {  	_ =	shalt  }
0x72: {  	_ =	shalt  }
0x73: {  	_ =	shalt  }
0x74: {  	_ =	shalt  }
0x75: {  	_ =	shalt  }
0x76: {  	_ =	shalt  }
0x77: {  	_ =	shalt  }
0x78: {  	_ =	shalt  }
0x79: {  	_ =	shalt  }
0x7a: {  	_ =	shalt  }
0x7b: {  	_ =	shalt  }
0x7c: {  	_ =	shalt  }
0x7d: {  	_ =	shalt  }
0x7e: {  	_ =	shalt  }
0x7f: {  	_ =	shalt  }
0x80: {  	_ =	shalt  }
0x81: {  	_ =	shalt  }
0x82: {  	_ =	shalt  }
0x83: {  	_ =	shalt  }
0x84: {  	_ =	shalt  }
0x85: {  	_ =	shalt  }
0x86: {  	_ =	shalt  }
0x87: {  	_ =	shalt  }
.Lfunc_end0:
.L_simem_size_0:
called_computation_lowered:
.L_overlay_start_0:
0x88: {  	s2 =	sld [smem:$0x3FD9]  }
0x89: {  	s3 =	sld [smem:$0x3FFE];
	_ =	sdelay $0x1  }
0x8a: {  	s1 =	srdreg.scid  }
0x8b: {  	s0 =	sand.u32 $0x1, s1  }
0x8c: {  	s17 =	sshll.u32 s0, $0xA;
	s2 =	sadd.s32 s3, s2  }
0x8d: {  	s2 =	sadd.s32 s2, s17  }
0x8e: {  	[smem:$0x3FC4] =	sst s2  }
0x8f: {  	_ = 	snop  }
0x90: {  	s2 =	sld [smem:$0x3FD0];
	(tm) =	ssettm $0x1  }
0x91: {  	s18 =	sld [smem:$0x3FFB];
	_ =	sdelay $0x3  }
0x92: {  	_ =	strace s18  }
0x93: {  	s3 =	sld [smem:$0x3FFC];
	_ =	sdelay $0x3  }
0x94: {  	_ =	strace s3  }
0x95: {  	s3 =	sld [smem:$0x3FFD];
	_ =	sdelay $0x3  }
0x96: {  	_ =	strace s3  }
0x97: {  	_ =	strace $0x8FFFFFFF  }
0x98: {  	s19 =	sld [smem:$0x3FDB];
	_ =	sdelay $0x1  }
0x99: {  	s4 =	simm.s32 $_scs_section_size  }
0x9a: {  	s5 =	simm.s32 $_size__tile_overlayer_lowered;
	s6 =	simm.s32 $_tile_overlayer_lowered  }
0x9b: {  	s22 =	simm.s32 $0x1BFF;
	s21 =	sshll.u32 s6, $0x1;
	s3 =	sadd.s32 s4, s19  }
0x9c: {  	s7 =	simm.s32 $0x0;
	s20 =	sshll.u32 s5, $0x1;
	s5 =	sadd.s32 s21, s3  }
0x9d: {  	[timem:s7], [sflag:s22] =	dma.local [hbm:s5], s20  }
0x9e: {  	_ =	swait.ge [sflag:s22], s20  }
0x9f: {  	s4 =	ssub.s32 $0x0, s20;
	[sflag:s22] =	ssyncset.done $0x0  }
0xa0: {  	[sflag:s22] =	ssyncadd.s32 s4;
	_ =	sdelay $0x1  }
0xa1: {  	s23 =	simm.s32 $0x1B8B  }
0xa2: {  	_ =	swait.ge [sflag:s23], $0x1  }
0xa3: {  	[sflag:s23] =	ssyncset.done $0x0  }
0xa4: {  	s25 =	simm.s32 $0x1B8E;
	s24 =	sld [smem:$0x3FFE];
	[sflag:s23] =	ssyncadd.s32 $0xFFFFFFFF  }
0xa5: {  	s26 =	simm.s32 $execute0_lowered;
	[smem:$0x3FD2] =	sst s25  }
0xa6: {  	s5 =	sshll.u32 s26, $0x1;
	_ =	strace $0x80000046;
	[dreg:$0x1] =	wrdreg $0xFFFFFFFF  }
0xa7: {  	s28 =	simm.s32 $_size_execute0_lowered;
	s3 =	sadd.s32 s3, s5;
	[dreg:$0x0] =	wrdreg $0x0  }
0xa8: {  	s5 =	sshll.u32 s28, $0x1;
	[dreg:$0x2] =	wrdreg s3  }
0xa9: {  	[dreg:$0x3] =	wrdreg s5  }
0xaa: {  	[dreg:$0x4] =	wrdreg $0xC0  }
0xab: {  	_ =	task [dreg:s7], $0x5FFFF  }
0xac: {  	[dreg:$0x1] =	wrdreg $0xFFFFFFFF  }
0xad: {  	[dreg:$0x0] =	wrdreg $0x60  }
0xae: {  	[dreg:$0x2] =	wrdreg s24  }
0xaf: {  	[dreg:$0x3] =	wrdreg s2  }
0xb0: {  	[dreg:$0x4] =	wrdreg $0x9  }
0xb1: {  	_ =	task.clear_ibuf [dreg:s7], $0x5FFFF;
	_ =	strace $0x90000046  }
0xb2: {  	s29 =	simm.s32 $0x9;
	_ =	strace $0x80000048  }
0xb3: {  	_ =	swait.ge [sflag:s29], $0x1  }
0xb4: {  	[sflag:s29] =	ssyncadd.s32 $0xFFFFFFFF  }
0xb5: {  	_ =	strace $0x90000048  }
0xb6: {  	_ =	sfence  }
0xb7: {  	s30 =	sld [smem:$0x0];
	_ =	sdelay $0x2  }
0xb8: {  	s31 =	sshll.u32 s1, $0xD;
	s1 =	sshrl.u32 s1, $0x2  }
0xb9: {  	s3 =	sand.u32 $0x4000, s31;
	s1 =	sadd.s32 s1, s30  }
0xba: {  	s0 =	sor.u32 s3, s0;
	s1 =	sshll.u32 s1, $0x11  }
0xbb: {  	s0 =	sor.u32 s1, s0  }
0xbc: {  	s0 =	sadd.s32 $0x8F2B, s0  }
0xbd: {  	[sflag:s0] =	ssyncadd.remote.s32 $0x1  }
0xbe: {  	_ =	sfence.sel $0xFFFF  }
0xbf: {  	[dreg:$0x0] =	wrdreg $0xFFFFFFFF;
	(pc) =	sbr.abs _section_cstart, $3  }
0xc0: {  	[dreg:$0x1] =	wrdreg $0xFFFFFFFF  }
0xc1: {  	_ =	task.clear_ibuf [dreg:s7], $0x2FFFF;
	_ =	strace $0x9FFFFFFF  }
0xc2: {  	(tm) =	ssettm $0x7FFFFFFF  }
0xc3: {  	_ =	shalt  }
tec
execute0_lowered:
.L_overlay_start_1:
0x0: {  	(tag) =	ssettag $0x1  }
0x1: {  	s0 =	srdreg.scid;
	s1 =	rddreg [dreg:$0x0]  }
0x2: {  	s3 =	stileid.u32;
	s2 =	rddreg [dreg:$0x1]  }
0x3: {  	s24 =	simm.s32 $0x0;
	s0 =	sand.u32 $0x1, s0;
	s3 =	sshll.u32 s3, $0x8  }
0x4: {  	[dreg:$0x3] =	wrdreg s2;
	s4 =	sshll.u32 s0, $0x7;
	s0 =	ssub.s32 $0x2, s0  }
0x5: {  	[smem:$0x7FF] =	sst s24;
	s23 =	sor.u32 s4, s3;
	s25 =	sshrl.u32 s0, $0x1  }
0x6: {  	[dreg:$0x4] =	wrdreg s23;
	s2 =	smul.u32 $0x19, s23;
	s0 =	ssub.s32 s0, s25  }
0x7: {  	s4 =	sadd.s32 $0x32600, s1;
	_ =	strace $0x80000047;
	s0 =	smax.u32 s0, $0x1  }
0x8: {  	s2 =	sadd.s32 s2, s1;
	s1 =	sadd.s32 $0xF5C00, s1;
	[dreg:$0x9] =	wrdreg s0  }
0x9: {  	s29 =	simm.s32 $0x5;
	[dreg:$0x6] =	wrdreg s1;
	s26 =	sadd.s32 $0x600, s2  }
0xa: {  	s30 =	simm.s32 $0x6;
	s28 =	sadd.s32 $0x19600, s2;
	[dreg:$0x7] =	wrdreg s26  }
0xb: {  	s31 =	simm.s32 $0x7;
	s1 =	simm.s32 $0x0;
	[dreg:$0x8] =	wrdreg s28  }
.LBB2_1:
0xc: {  	[dreg:$0xa] =	wrdreg s1  }
0xd: {  	s0 =	simm.s32 $0x0;
	s17 =	rddreg [dreg:$0x7];
	s2 =	simm.s32 $0x9  }
0xe: {  	[tilespmem:s0], [sflag:$0x9] =	stream.linear.gather [hbm4b:s17+s0], $0x6400, $0x38;
	[tilespmem:$0x19800] =	vst v63  }
0xf: {  	_ =	swait.ge [sflag:s2], $0x6400  }
0x10: {  	[sflag:s2] =	ssyncset.done $0x0  }
0x11: {  	s3 =	simm.s32 $0x6400;
	s18 =	rddreg [dreg:$0x8];
	[sflag:s2] =	ssyncadd.s32 $0xFFFF9C00  }
0x12: {  	[tilespmem:s3], [sflag:$0x9] =	stream.linear.gather [hbm4b:s18+s0], $0x6400, $0x38;
	[tilespmem:$0x19800] =	vst v63  }
0x13: {  	p1 =	por $0x0, $0x0;
	_ =	swait.ge [sflag:s2], $0x6400  }
0x14: {  	p0 =	por p1, p1;
	[sflag:s2] =	ssyncset.done $0x0  }
0x15: {  	s0 =	simm.s32 @p0 $0x1;
	[sflag:s2] =	ssyncadd.s32 $0xFFFF9C00  }
0x16: {  	_ =	swait.ge @p0 [sflag:s0], $0x1A00  }
0x17: {  	s1 =	simm.s32 @p0 $0xC800;
	s3 =	simm.s32 @p0 $0x68;
	[sflag:s0] =	ssyncset.done @p0 $0x0  }
0x18: {  	s2 =	simm.s32 @p0 $0x2;
	[sflag:s0] =	ssyncadd.s32 @p0 $0xFFFFE600;
	s0 =	simm.s32 @p0 $0x0  }
0x19: {  	[tilespmem:s1], [sflag:$0x1] =	stream.indirect.gather @p0 [hbm4b:s4+s3], $0x40, s0, s3, $0xb8;
	[tilespmem:$0x19800] =	vst v63  }
0x1a: {  	_ =	swait.ge @p0 [sflag:s2], $0x1800  }
0x1b: {  	s6 =	simm.s32 @p0 $0x60;
	s0 =	simm.s32 @p0 $0xE200;
	[sflag:s2] =	ssyncset.done @p0 $0x0  }
0x1c: {  	s1 =	simm.s32 @p0 $0x3;
	[sflag:s2] =	ssyncadd.s32 @p0 $0xFFFFE800;
	s2 =	simm.s32 @p0 $0x68  }
0x1d: {  	[tilespmem:s0], [sflag:$0x2] =	stream.indirect.gather @p0 [hbm4b:s4+s6], $0x40, s2, s6, $0xb8;
	[tilespmem:$0x19800] =	vst v63  }
0x1e: {  	_ =	swait.ge @p0 [sflag:s1], $0x1A00  }
0x1f: {  	s0 =	simm.s32 @p0 $0x4;
	[sflag:s1] =	ssyncset.done @p0 $0x0  }
0x20: {  	s2 =	simm.s32 @p0 $0xFC00;
	[sflag:s1] =	ssyncadd.s32 @p0 $0xFFFFE600;
	s1 =	simm.s32 @p0 $0xC8  }
0x21: {  	[tilespmem:s2], [sflag:$0x3] =	stream.indirect.gather @p0 [hbm4b:s4+s3], $0x40, s1, s3, $0xb8;
	[tilespmem:$0x19800] =	vst v63  }
0x22: {  	_ =	swait.ge @p0 [sflag:s0], $0x1800  }
0x23: {  	s1 =	simm.s32 @p0 $0x5;
	[sflag:s0] =	ssyncset.done @p0 $0x0  }
0x24: {  	s2 =	simm.s32 @p0 $0x11600;
	[sflag:s0] =	ssyncadd.s32 @p0 $0xFFFFE800;
	s0 =	simm.s32 @p0 $0x130  }
0x25: {  	[tilespmem:s2], [sflag:$0x4] =	stream.indirect.gather @p0 [hbm4b:s4+s6], $0x40, s0, s6, $0xb8;
	[tilespmem:$0x19800] =	vst v63  }
0x26: {  	_ =	swait.ge @p0 [sflag:s1], $0x1A00  }
0x27: {  	s0 =	simm.s32 @p0 $0x6;
	[sflag:s1] =	ssyncset.done @p0 $0x0  }
0x28: {  	s2 =	simm.s32 @p0 $0x13000;
	[sflag:s1] =	ssyncadd.s32 @p0 $0xFFFFE600;
	s1 =	simm.s32 @p0 $0x190  }
0x29: {  	[tilespmem:s2], [sflag:$0x5] =	stream.indirect.gather @p0 [hbm4b:s4+s3], $0x40, s1, s3, $0xb8;
	[tilespmem:$0x19800] =	vst v63  }
0x2a: {  	_ =	swait.ge @p0 [sflag:s0], $0x1800  }
0x2b: {  	s1 =	simm.s32 @p0 $0x7;
	[sflag:s0] =	ssyncset.done @p0 $0x0  }
0x2c: {  	s2 =	simm.s32 @p0 $0x14A00;
	[sflag:s0] =	ssyncadd.s32 @p0 $0xFFFFE800;
	s0 =	simm.s32 @p0 $0x1F8  }
0x2d: {  	[tilespmem:s2], [sflag:$0x6] =	stream.indirect.gather @p0 [hbm4b:s4+s6], $0x40, s0, s6, $0xb8;
	[tilespmem:$0x19800] =	vst v63  }
0x2e: {  	_ =	swait.ge @p0 [sflag:s1], $0x1A00  }
0x2f: {  	s0 =	simm.s32 $0x258;
	[sflag:s1] =	ssyncset.done @p0 $0x0  }
0x30: {  	s2 =	simm.s32 @p0 $0x8;
	[sflag:s1] =	ssyncadd.s32 @p0 $0xFFFFE600;
	s1 =	simm.s32 @p0 $0x16400  }
0x31: {  	[tilespmem:s1], [sflag:$0x7] =	stream.indirect.gather @p0 [hbm4b:s4+s3], $0x40, s0, s3, $0xb8;
	[tilespmem:$0x19800] =	vst v63  }
0x32: {  	_ =	swait.ge @p0 [sflag:s2], $0x1800  }
0x33: {  	s1 =	simm.s32 @!p0 $0xC800;
	[sflag:s2] =	ssyncset.done @p0 $0x0  }
0x34: {  	s3 =	simm.s32 @!p0 $0x0;
	[sflag:s2] =	ssyncadd.s32 @p0 $0xFFFFE800;
	s2 =	simm.s32 @!p0 $0x68  }
0x35: {  	[tilespmem:s1], [sflag:$0x1] =	stream.indirect.gather @!p0 [hbm4b:s4+s2], $0x40, s3, s2, $0xb8;
	[tilespmem:$0x19800] =	vst v63  }
0x36: {  	s1 =	simm.s32 @!p0 $0x60;
	s3 =	simm.s32 @!p0 $0xE200  }
0x37: {  	[tilespmem:s3], [sflag:$0x2] =	stream.indirect.gather @!p0 [hbm4b:s4+s1], $0x40, s2, s1, $0xb8;
	[tilespmem:$0x19800] =	vst v63  }
0x38: {  	s6 =	simm.s32 @!p0 $0xFC00;
	s3 =	simm.s32 @!p0 $0xC8  }
0x39: {  	[tilespmem:s6], [sflag:$0x3] =	stream.indirect.gather @!p0 [hbm4b:s4+s2], $0x40, s3, s2, $0xb8;
	[tilespmem:$0x19800] =	vst v63  }
0x3a: {  	s3 =	simm.s32 @!p0 $0x130;
	s6 =	simm.s32 @!p0 $0x11600  }
0x3b: {  	[tilespmem:s6], [sflag:$0x4] =	stream.indirect.gather @!p0 [hbm4b:s4+s1], $0x40, s3, s1, $0xb8;
	[tilespmem:$0x19800] =	vst v63  }
0x3c: {  	s20 =	simm.s32 $0x60;
	s3 =	simm.s32 @!p0 $0x190;
	s6 =	simm.s32 @!p0 $0x13000  }
0x3d: {  	[tilespmem:s6], [sflag:$0x5] =	stream.indirect.gather @!p0 [hbm4b:s4+s2], $0x40, s3, s2, $0xb8;
	[tilespmem:$0x19800] =	vst v63  }
0x3e: {  	s7 =	simm.s32 @!p0 $0x14A00;
	s3 =	simm.s32 @p1 $0x0;
	s6 =	simm.s32 @!p0 $0x1F8  }
0x3f: {  	[tilespmem:s7], [sflag:$0x6] =	stream.indirect.gather @!p0 [hbm4b:s4+s1], $0x40, s6, s1, $0xb8;
	[tilespmem:$0x19800] =	vst v63  }
0x40: {  	s3 =	simm.s32 @!p0 $0x0;
	s1 =	simm.s32 @!p0 $0x258;
	s6 =	simm.s32 @!p0 $0x16400  }
0x41: {  	[tilespmem:s6], [sflag:$0x7] =	stream.indirect.gather @!p0 [hbm4b:s4+s2], $0x40, s1, s2, $0xb8;
	[tilespmem:$0x19800] =	vst v63  }
0x42: {  	s25 =	simm.s32 $0x17E00;
	s26 =	simm.s32 $0x1;
	s19 =	sadd.s32 $0x2C0, s3  }
0x43: {  	[tilespmem:s25], [sflag:$0x8] =	stream.indirect.gather [hbm4b:s4+s20], $0x40, s19, s20, $0xb8;
	[tilespmem:$0x19800] =	vst v63  }
0x44: {  	s8 =	simm.s32 $0x68;
	_ =	swait.ge [sflag:s26], $0x1A00  }
0x45: {  	s9 =	simm.s32 $0xC800;
	s10 =	simm.s32 $0x2;
	[sflag:s26] =	ssyncset.done $0x0  }
0x46: {  	s28 =	sadd.s32 $0x6400, s3;
	s5 =	rddreg [dreg:$0x6];
	[sflag:s26] =	ssyncadd.s32 $0xFFFFE600  }
0x47: {  	[tilespmem:s9], [sflag:$0x1] =	stream.indirect.gather.add.f32 [hbm:s5], $0x40, s28, s8, $0xb8;
	[tilespmem:$0x19800] =	vst v63  }
0x48: {  	s1 =	simm.s32 @p1 $0x68;
	_ =	swait.ge [sflag:s10], $0x1800  }
0x49: {  	s12 =	simm.s32 $0xE200;
	s1 =	simm.s32 @!p1 $0x68;
	[sflag:s10] =	ssyncset.done $0x0  }
0x4a: {  	s13 =	simm.s32 $0x3;
	s1 =	sadd.s32 $0x6400, s1;
	[sflag:s10] =	ssyncadd.s32 $0xFFFFE800  }
0x4b: {  	[tilespmem:s12], [sflag:$0x2] =	stream.indirect.gather.add.f32 [hbm:s5], $0x40, s1, s20, $0xb8;
	[tilespmem:$0x19800] =	vst v63  }
0x4c: {  	s1 =	simm.s32 @p1 $0xC8;
	_ =	swait.ge [sflag:s13], $0x1A00  }
0x4d: {  	s14 =	simm.s32 $0xFC00;
	s1 =	simm.s32 @!p1 $0xC8;
	[sflag:s13] =	ssyncset.done $0x0  }
0x4e: {  	s15 =	simm.s32 $0x4;
	s1 =	sadd.s32 $0x6400, s1;
	[sflag:s13] =	ssyncadd.s32 $0xFFFFE600  }
0x4f: {  	[tilespmem:s14], [sflag:$0x3] =	stream.indirect.gather.add.f32 [hbm:s5], $0x40, s1, s8, $0xb8;
	[tilespmem:$0x19800] =	vst v63  }
0x50: {  	s1 =	simm.s32 @p1 $0x130;
	_ =	swait.ge [sflag:s15], $0x1800  }
0x51: {  	s16 =	simm.s32 $0x11600;
	s1 =	simm.s32 @!p1 $0x130;
	[sflag:s15] =	ssyncset.done $0x0  }
0x52: {  	s17 =	simm.s32 $0x5;
	s1 =	sadd.s32 $0x6400, s1;
	[sflag:s15] =	ssyncadd.s32 $0xFFFFE800  }
0x53: {  	[tilespmem:s16], [sflag:$0x4] =	stream.indirect.gather.add.f32 [hbm:s5], $0x40, s1, s20, $0xb8;
	[tilespmem:$0x19800] =	vst v63  }
0x54: {  	s1 =	simm.s32 @p1 $0x190;
	_ =	swait.ge [sflag:s17], $0x1A00  }
0x55: {  	s18 =	simm.s32 $0x13000;
	s1 =	simm.s32 @!p1 $0x190;
	[sflag:s17] =	ssyncset.done $0x0  }
0x56: {  	s19 =	simm.s32 $0x6;
	s1 =	sadd.s32 $0x6400, s1;
	[sflag:s17] =	ssyncadd.s32 $0xFFFFE600  }
0x57: {  	[tilespmem:s18], [sflag:$0x5] =	stream.indirect.gather.add.f32 [hbm:s5], $0x40, s1, s8, $0xb8;
	[tilespmem:$0x19800] =	vst v63  }
0x58: {  	s1 =	simm.s32 @p1 $0x1F8;
	_ =	swait.ge [sflag:s19], $0x1800  }
0x59: {  	s24 =	simm.s32 $0x14A00;
	s1 =	simm.s32 @!p1 $0x1F8;
	[sflag:s19] =	ssyncset.done $0x0  }
0x5a: {  	s21 =	simm.s32 $0x7;
	s1 =	sadd.s32 $0x6400, s1;
	[sflag:s19] =	ssyncadd.s32 $0xFFFFE800  }
0x5b: {  	[tilespmem:s24], [sflag:$0x6] =	stream.indirect.gather.add.f32 [hbm:s5], $0x40, s1, s20, $0xb8;
	[tilespmem:$0x19800] =	vst v63  }
0x5c: {  	_ =	swait.ge [sflag:s21], $0x1A00  }
0x5d: {  	s22 =	simm.s32 $0x16400;
	s0 =	simm.s32 @!p0 $0x258;
	[sflag:s21] =	ssyncset.done $0x0  }
0x5e: {  	s23 =	simm.s32 $0x8;
	s0 =	sadd.s32 $0x6400, s0;
	[sflag:s21] =	ssyncadd.s32 $0xFFFFE600  }
0x5f: {  	[tilespmem:s22], [sflag:$0x7] =	stream.indirect.gather.add.f32 [hbm:s5], $0x40, s0, s8, $0xb8;
	[tilespmem:$0x19800] =	vst v63  }
0x60: {  	_ =	swait.ge [sflag:s23], $0x1800  }
0x61: {  	[sflag:s23] =	ssyncset.done $0x0;
	s11 =	rddreg [dreg:$0x4]  }
0x62: {  	s1 =	sadd.s32 $0x66C0, s3;
	[sflag:s23] =	ssyncadd.s32 $0xFFFFE800;
	s0 =	smov.u32 s11  }
0x63: {  	[tilespmem:s25], [sflag:$0x8] =	stream.indirect.gather.add.f32 [hbm:s5], $0x40, s1, s20, $0xb8;
	[tilespmem:$0x19800] =	vst v63  }
0x64: {  	s0 =	smov.u32 @p0 s11  }
0x65: {  	s0 =	smul.u32 $0x6400, s0  }
0x66: {  	s25 =	simm.s32 $0x40;
	_ =	swait.ge [sflag:s26], $0x1A00  }
0x67: {  	s3 =	rddreg [dreg:$0x3];
	[sflag:s26] =	ssyncset.done $0x0;
	s0 =	sshrl.u32 s0, $0x3  }
0x68: {  	s20 =	simm.s32 $0x80;
	[sflag:s26] =	ssyncadd.s32 $0xFFFFE600;
	s5 =	sadd.s32 s3, s0  }
0x69: {  	[hbm4b:s5+s25] =	stream.strided.scatter [tilespmem:s9], [sflag:$0x1], $0x1A00, s20, s25, $0x38;
	[tilespmem:$0x19800] =	vst v63  }
0x6a: {  	_ =	swait.ge [sflag:s10], $0x1800  }
0x6b: {  	[sflag:s10] =	ssyncset.done $0x0  }
0x6c: {  	s0 =	sadd.s32 $0x680, s5;
	[sflag:s10] =	ssyncadd.s32 $0xFFFFE800  }
0x6d: {  	[hbm4b:s0+s25] =	stream.strided.scatter [tilespmem:s12], [sflag:$0x2], $0x1800, s20, s25, $0x38;
	[tilespmem:$0x19800] =	vst v63  }
0x6e: {  	_ =	swait.ge [sflag:s13], $0x1A00  }
0x6f: {  	[sflag:s13] =	ssyncset.done $0x0  }
0x70: {  	[sflag:s13] =	ssyncadd.s32 $0xFFFFE600;
	s13 =	sadd.s32 $0xC80, s5  }
0x71: {  	[hbm4b:s13+s25] =	stream.strided.scatter [tilespmem:s14], [sflag:$0x3], $0x1A00, s20, s25, $0x38;
	[tilespmem:$0x19800] =	vst v63  }
0x72: {  	_ =	swait.ge [sflag:s15], $0x1800  }
0x73: {  	[sflag:s15] =	ssyncset.done $0x0  }
0x74: {  	[sflag:s15] =	ssyncadd.s32 $0xFFFFE800;
	s15 =	sadd.s32 $0x1300, s5  }
0x75: {  	[hbm4b:s15+s25] =	stream.strided.scatter [tilespmem:s16], [sflag:$0x4], $0x1800, s20, s25, $0x38;
	[tilespmem:$0x19800] =	vst v63  }
0x76: {  	_ =	swait.ge [sflag:s17], $0x1A00  }
0x77: {  	p0 =	por $0x1, $0x1;
	s26 =	simm.s32 $0x578;
	[sflag:s17] =	ssyncset.done $0x0  }
0x78: {  	[dreg:$0x5] =	wrdreg s26;
	[sflag:s17] =	ssyncadd.s32 $0xFFFFE600;
	s17 =	sadd.s32 $0x1900, s5  }
0x79: {  	[hbm4b:s17+s25] =	stream.strided.scatter [tilespmem:s18], [sflag:$0x5], $0x1A00, s20, s25, $0x38;
	[tilespmem:$0x19800] =	vst v63  }
0x7a: {  	s2 =	simm.s32 $0x578;
	s8 =	simm.s32 @p0 $0x450;
	_ =	swait.ge [sflag:s19], $0x1800  }
0x7b: {  	s7 =	simm.s32 @p0 $0x4B0;
	s6 =	simm.s32 @p0 $0x518;
	[sflag:s19] =	ssyncset.done $0x0  }
0x7c: {  	s8 =	simm.s32 @!p0 $0x130;
	s1 =	sadd.s32 $0x1F80, s5;
	[sflag:s19] =	ssyncadd.s32 $0xFFFFE800  }
0x7d: {  	[hbm4b:s1+s25] =	stream.strided.scatter [tilespmem:s24], [sflag:$0x6], $0x1800, s20, s25, $0x38;
	[tilespmem:$0x19800] =	vst v63  }
0x7e: {  	s7 =	simm.s32 @!p0 $0x190;
	s6 =	simm.s32 @!p0 $0x1F8;
	_ =	swait.ge [sflag:s21], $0x1A00  }
0x7f: {  	s3 =	sadd.s32 $0x4, s11;
	s9 =	simm.s32 @p0 $0x3E8;
	[sflag:s21] =	ssyncset.done $0x0  }
0x80: {  	s28 =	sadd.s32 $0x2580, s5;
	s9 =	simm.s32 @!p0 $0xC8;
	[sflag:s21] =	ssyncadd.s32 $0xFFFFE600  }
0x81: {  	[hbm4b:s28+s25] =	stream.strided.scatter [tilespmem:s22], [sflag:$0x7], $0x1A00, s20, s25, $0x38;
	[tilespmem:$0x19800] =	vst v63  }
0x82: {  	s10 =	sadd.s32 $0x2C00, s5;
	s15 =	simm.s32 $0x898;
	_ =	swait.ge [sflag:s23], $0x1800  }
0x83: {  	s26 =	simm.s32 @p0 $0x320;
	s1 =	simm.s32 @p0 $0x388;
	[sflag:s23] =	ssyncset.done $0x0  }
0x84: {  	s1 =	simm.s32 @!p0 $0x68;
	p0 =	por p0, p0;
	[sflag:s23] =	ssyncadd.s32 $0xFFFFE800  }
.LBB2_2:
0x85: {  	s0 =	simm.s32 $0x17E00;
	s14 =	simm.s32 $0x40;
	s20 =	simm.s32 $0x80  }
0x86: {  	[hbm4b:s10+s14] =	stream.strided.scatter [tilespmem:s0], [sflag:$0x8], $0x1800, s20, s14, $0x38;
	[tilespmem:$0x19800] =	vst v63  }
0x87: {  	s10 =	simm.s32 @p0 $0x1  }
0x88: {  	_ =	swait.ge @p0 [sflag:s10], $0x1A00  }
0x89: {  	s19 =	simm.s32 @p0 $0xC800;
	s23 =	simm.s32 @p0 $0x2;
	[sflag:s10] =	ssyncset.done @p0 $0x0  }
0x8a: {  	s21 =	sadd.s32 @p0 $0xFFFFFDA8, s2;
	[sflag:s10] =	ssyncadd.s32 @p0 $0xFFFFE600;
	s10 =	simm.s32 @p0 $0x68  }
0x8b: {  	[tilespmem:s19], [sflag:$0x1] =	stream.indirect.gather @p0 [hbm4b:s4+s10], $0x40, s21, s10, $0xb8;
	[tilespmem:$0x19800] =	vst v63  }
0x8c: {  	_ =	swait.ge @p0 [sflag:s23], $0x1800  }
0x8d: {  	s11 =	simm.s32 @p0 $0x3;
	s13 =	simm.s32 @p0 $0x60;
	[sflag:s23] =	ssyncset.done @p0 $0x0  }
0x8e: {  	s19 =	simm.s32 @p0 $0xE200;
	[sflag:s23] =	ssyncadd.s32 @p0 $0xFFFFE800;
	s23 =	sadd.s32 @p0 $0xFFFFFE10, s2  }
0x8f: {  	[tilespmem:s19], [sflag:$0x2] =	stream.indirect.gather @p0 [hbm4b:s4+s13], $0x40, s23, s13, $0xb8;
	[tilespmem:$0x19800] =	vst v63  }
0x90: {  	_ =	swait.ge @p0 [sflag:s11], $0x1A00  }
0x91: {  	s16 =	simm.s32 @p0 $0x4;
	[sflag:s11] =	ssyncset.done @p0 $0x0  }
0x92: {  	s18 =	simm.s32 @p0 $0xFC00;
	[sflag:s11] =	ssyncadd.s32 @p0 $0xFFFFE600;
	s11 =	sadd.s32 @p0 $0xFFFFFE70, s2  }
0x93: {  	[tilespmem:s18], [sflag:$0x3] =	stream.indirect.gather @p0 [hbm4b:s4+s10], $0x40, s11, s10, $0xb8;
	[tilespmem:$0x19800] =	vst v63  }
0x94: {  	_ =	swait.ge @p0 [sflag:s16], $0x1800  }
0x95: {  	s11 =	simm.s32 @p0 $0x5;
	[sflag:s16] =	ssyncset.done @p0 $0x0  }
0x96: {  	s18 =	simm.s32 @p0 $0x11600;
	[sflag:s16] =	ssyncadd.s32 @p0 $0xFFFFE800;
	s16 =	sadd.s32 @p0 $0xFFFFFED8, s2  }
0x97: {  	[tilespmem:s18], [sflag:$0x4] =	stream.indirect.gather @p0 [hbm4b:s4+s13], $0x40, s16, s13, $0xb8;
	[tilespmem:$0x19800] =	vst v63  }
0x98: {  	_ =	swait.ge @p0 [sflag:s11], $0x1A00  }
0x99: {  	s16 =	simm.s32 @p0 $0x6;
	[sflag:s11] =	ssyncset.done @p0 $0x0  }
0x9a: {  	s18 =	simm.s32 @p0 $0x13000;
	[sflag:s11] =	ssyncadd.s32 @p0 $0xFFFFE600;
	s11 =	sadd.s32 @p0 $0xFFFFFF38, s2  }
0x9b: {  	[tilespmem:s18], [sflag:$0x5] =	stream.indirect.gather @p0 [hbm4b:s4+s10], $0x40, s11, s10, $0xb8;
	[tilespmem:$0x19800] =	vst v63  }
0x9c: {  	_ =	swait.ge @p0 [sflag:s16], $0x1800  }
0x9d: {  	s11 =	simm.s32 @p0 $0x7;
	[sflag:s16] =	ssyncset.done @p0 $0x0  }
0x9e: {  	s18 =	simm.s32 @p0 $0x14A00;
	[sflag:s16] =	ssyncadd.s32 @p0 $0xFFFFE800;
	s16 =	sadd.s32 @p0 $0xFFFFFFA0, s2  }
0x9f: {  	[tilespmem:s18], [sflag:$0x6] =	stream.indirect.gather @p0 [hbm4b:s4+s13], $0x40, s16, s13, $0xb8;
	[tilespmem:$0x19800] =	vst v63  }
0xa0: {  	_ =	swait.ge @p0 [sflag:s11], $0x1A00  }
0xa1: {  	[sflag:s11] =	ssyncset.done @p0 $0x0  }
0xa2: {  	s13 =	simm.s32 @p0 $0x8;
	[sflag:s11] =	ssyncadd.s32 @p0 $0xFFFFE600;
	s11 =	simm.s32 @p0 $0x16400  }
0xa3: {  	[tilespmem:s11], [sflag:$0x7] =	stream.indirect.gather @p0 [hbm4b:s4+s10], $0x40, s2, s10, $0xb8;
	[tilespmem:$0x19800] =	vst v63  }
0xa4: {  	_ =	swait.ge @p0 [sflag:s13], $0x1800  }
0xa5: {  	s10 =	simm.s32 @!p0 $0xC800;
	[sflag:s13] =	ssyncset.done @p0 $0x0  }
0xa6: {  	s11 =	simm.s32 @!p0 $0x68;
	[sflag:s13] =	ssyncadd.s32 @p0 $0xFFFFE800;
	s13 =	simm.s32 @!p0 $0x0  }
0xa7: {  	[tilespmem:s10], [sflag:$0x1] =	stream.indirect.gather @!p0 [hbm4b:s4+s11], $0x40, s13, s11, $0xb8;
	[tilespmem:$0x19800] =	vst v63  }
0xa8: {  	s10 =	simm.s32 @!p0 $0x60;
	s13 =	simm.s32 @!p0 $0xE200  }
0xa9: {  	[tilespmem:s13], [sflag:$0x2] =	stream.indirect.gather @!p0 [hbm4b:s4+s10], $0x40, s11, s10, $0xb8;
	[tilespmem:$0x19800] =	vst v63  }
0xaa: {  	s16 =	simm.s32 @!p0 $0xFC00;
	s13 =	simm.s32 @!p0 $0xC8  }
0xab: {  	[tilespmem:s16], [sflag:$0x3] =	stream.indirect.gather @!p0 [hbm4b:s4+s11], $0x40, s13, s11, $0xb8;
	[tilespmem:$0x19800] =	vst v63  }
0xac: {  	s17 =	smov.u32 s15;
	s13 =	simm.s32 @!p0 $0x130;
	s16 =	simm.s32 @!p0 $0x11600  }
0xad: {  	[tilespmem:s16], [sflag:$0x4] =	stream.indirect.gather @!p0 [hbm4b:s4+s10], $0x40, s13, s10, $0xb8;
	[tilespmem:$0x19800] =	vst v63  }
0xae: {  	p2 =	sne.s32 s17, $0x258;
	s13 =	simm.s32 @!p0 $0x190;
	s16 =	simm.s32 @!p0 $0x13000  }
0xaf: {  	[tilespmem:s16], [sflag:$0x5] =	stream.indirect.gather @!p0 [hbm4b:s4+s11], $0x40, s13, s11, $0xb8;
	[tilespmem:$0x19800] =	vst v63  }
0xb0: {  	s12 =	sadd.s32 @p2 $0xFFFFFDA8, s17;
	s13 =	simm.s32 @!p0 $0x1F8;
	s16 =	simm.s32 @!p0 $0x14A00  }
0xb1: {  	[tilespmem:s16], [sflag:$0x6] =	stream.indirect.gather @!p0 [hbm4b:s4+s10], $0x40, s13, s10, $0xb8;
	[tilespmem:$0x19800] =	vst v63  }
0xb2: {  	s5 =	simm.s32 $0x17E00;
	s18 =	smov.u32 s12;
	s10 =	smov.u32 s26  }
0xb3: {  	s13 =	simm.s32 @!p0 $0x258;
	s16 =	simm.s32 @!p0 $0x16400;
	s10 =	simm.s32 @!p0 $0x0  }
0xb4: {  	[tilespmem:s16], [sflag:$0x7] =	stream.indirect.gather @!p0 [hbm4b:s4+s11], $0x40, s13, s11, $0xb8;
	[tilespmem:$0x19800] =	vst v63  }
0xb5: {  	s12 =	simm.s32 $0x60;
	s16 =	sadd.s32 $0x2C0, s10;
	s13 =	simm.s32 $0x1  }
0xb6: {  	[tilespmem:s5], [sflag:$0x8] =	stream.indirect.gather [hbm4b:s4+s12], $0x40, s16, s12, $0xb8;
	[tilespmem:$0x19800] =	vst v63  }
0xb7: {  	_ =	swait.ge [sflag:s13], $0x1A00  }
0xb8: {  	s22 =	sadd.s32 $0x6400, s10;
	s16 =	simm.s32 $0x68;
	[sflag:s13] =	ssyncset.done $0x0  }
0xb9: {  	s5 =	simm.s32 $0xC800;
	s0 =	rddreg [dreg:$0x6];
	[sflag:s13] =	ssyncadd.s32 $0xFFFFE600  }
0xba: {  	[tilespmem:s5], [sflag:$0x1] =	stream.indirect.gather.add.f32 [hbm:s0], $0x40, s22, s16, $0xb8;
	[tilespmem:$0x19800] =	vst v63  }
0xbb: {  	s22 =	simm.s32 $0x2  }
0xbc: {  	s25 =	sadd.s32 @p2 $0xFFFFFE10, s17;
	_ =	swait.ge [sflag:s22], $0x1800  }
0xbd: {  	s24 =	sadd.s32 $0x6400, s1;
	s25 =	simm.s32 @!p2 $0x68;
	[sflag:s22] =	ssyncset.done $0x0  }
0xbe: {  	s5 =	smov.u32 s25;
	s25 =	simm.s32 $0xE200;
	[sflag:s22] =	ssyncadd.s32 $0xFFFFE800  }
0xbf: {  	[tilespmem:s25], [sflag:$0x2] =	stream.indirect.gather.add.f32 [hbm:s0], $0x40, s24, s12, $0xb8;
	[tilespmem:$0x19800] =	vst v63  }
0xc0: {  	s28 =	sadd.s32 @p2 $0xFFFFFE70, s17;
	s24 =	simm.s32 $0x3  }
0xc1: {  	s28 =	simm.s32 @!p2 $0xC8;
	_ =	swait.ge [sflag:s24], $0x1A00  }
0xc2: {  	s1 =	smov.u32 s28;
	[sflag:s24] =	ssyncset.done $0x0  }
0xc3: {  	s28 =	simm.s32 $0xFC00;
	s26 =	sadd.s32 $0x6400, s9;
	[sflag:s24] =	ssyncadd.s32 $0xFFFFE600  }
0xc4: {  	[tilespmem:s28], [sflag:$0x3] =	stream.indirect.gather.add.f32 [hbm:s0], $0x40, s26, s16, $0xb8;
	[tilespmem:$0x19800] =	vst v63  }
0xc5: {  	s26 =	simm.s32 $0x4  }
0xc6: {  	s21 =	sadd.s32 @p2 $0xFFFFFED8, s17;
	_ =	swait.ge [sflag:s26], $0x1800  }
0xc7: {  	s8 =	sadd.s32 $0x6400, s8;
	s21 =	simm.s32 @!p2 $0x130;
	[sflag:s26] =	ssyncset.done $0x0  }
0xc8: {  	s9 =	smov.u32 s21;
	s21 =	simm.s32 $0x11600;
	[sflag:s26] =	ssyncadd.s32 $0xFFFFE800  }
0xc9: {  	[tilespmem:s21], [sflag:$0x4] =	stream.indirect.gather.add.f32 [hbm:s0], $0x40, s8, s12, $0xb8;
	[tilespmem:$0x19800] =	vst v63  }
0xca: {  	s23 =	sadd.s32 @p2 $0xFFFFFF38, s17;
	_ =	swait.ge [sflag:s29], $0x1A00  }
0xcb: {  	s7 =	sadd.s32 $0x6400, s7;
	s23 =	simm.s32 @!p2 $0x190;
	[sflag:s29] =	ssyncset.done $0x0  }
0xcc: {  	s8 =	smov.u32 s23;
	s23 =	simm.s32 $0x13000;
	[sflag:s29] =	ssyncadd.s32 $0xFFFFE600  }
0xcd: {  	[tilespmem:s23], [sflag:$0x5] =	stream.indirect.gather.add.f32 [hbm:s0], $0x40, s7, s16, $0xb8;
	[tilespmem:$0x19800] =	vst v63  }
0xce: {  	s19 =	sadd.s32 @p2 $0xFFFFFFA0, s17;
	_ =	swait.ge [sflag:s30], $0x1800  }
0xcf: {  	s6 =	sadd.s32 $0x6400, s6;
	s19 =	simm.s32 @!p2 $0x1F8;
	[sflag:s30] =	ssyncset.done $0x0  }
0xd0: {  	s7 =	smov.u32 s19;
	s19 =	simm.s32 $0x14A00;
	[sflag:s30] =	ssyncadd.s32 $0xFFFFE800  }
0xd1: {  	[tilespmem:s19], [sflag:$0x6] =	stream.indirect.gather.add.f32 [hbm:s0], $0x40, s6, s12, $0xb8;
	[tilespmem:$0x19800] =	vst v63  }
0xd2: {  	_ =	swait.ge [sflag:s31], $0x1A00  }
0xd3: {  	s11 =	rddreg [dreg:$0x5]  }
0xd4: {  	s6 =	smov.u32 s17;
	[sflag:s31] =	ssyncset.done $0x0;
	s11 =	simm.s32 @!p0 $0x258  }
0xd5: {  	s17 =	simm.s32 $0x16400;
	[sflag:s31] =	ssyncadd.s32 $0xFFFFE600;
	s11 =	sadd.s32 $0x6400, s11  }
0xd6: {  	[tilespmem:s17], [sflag:$0x7] =	stream.indirect.gather.add.f32 [hbm:s0], $0x40, s11, s16, $0xb8;
	[tilespmem:$0x19800] =	vst v63  }
0xd7: {  	[dreg:$0x5] =	wrdreg s6;
	s16 =	simm.s32 $0x8  }
0xd8: {  	_ =	swait.ge [sflag:s16], $0x1800  }
0xd9: {  	[sflag:s16] =	ssyncset.done $0x0  }
0xda: {  	s10 =	sadd.s32 $0x66C0, s10;
	s11 =	simm.s32 $0x17E00;
	[sflag:s16] =	ssyncadd.s32 $0xFFFFE800  }
0xdb: {  	[tilespmem:s11], [sflag:$0x8] =	stream.indirect.gather.add.f32 [hbm:s0], $0x40, s10, s12, $0xb8;
	[tilespmem:$0x19800] =	vst v63  }
0xdc: {  	s10 =	rddreg [dreg:$0x4]  }
0xdd: {  	s6 =	smov.u32 s7;
	s10 =	smov.u32 @p0 s3  }
0xde: {  	s7 =	smov.u32 s8;
	s8 =	smov.u32 s9;
	s10 =	smul.u32 $0x6400, s10  }
0xdf: {  	s9 =	smov.u32 s1;
	s1 =	smov.u32 s5;
	_ =	swait.ge [sflag:s13], $0x1A00  }
0xe0: {  	s5 =	rddreg [dreg:$0x3];
	[sflag:s13] =	ssyncset.done $0x0;
	s10 =	sshrl.u32 s10, $0x3  }
0xe1: {  	s12 =	simm.s32 $0xC800;
	[sflag:s13] =	ssyncadd.s32 $0xFFFFE600;
	s10 =	sadd.s32 s5, s10  }
0xe2: {  	[hbm4b:s10+s14] =	stream.strided.scatter [tilespmem:s12], [sflag:$0x1], $0x1A00, s20, s14, $0x38;
	[tilespmem:$0x19800] =	vst v63  }
0xe3: {  	_ =	swait.ge [sflag:s22], $0x1800  }
0xe4: {  	[sflag:s22] =	ssyncset.done $0x0  }
0xe5: {  	s11 =	sadd.s32 $0x680, s10;
	[sflag:s22] =	ssyncadd.s32 $0xFFFFE800  }
0xe6: {  	[hbm4b:s11+s14] =	stream.strided.scatter [tilespmem:s25], [sflag:$0x2], $0x1800, s20, s14, $0x38;
	[tilespmem:$0x19800] =	vst v63  }
0xe7: {  	_ =	swait.ge [sflag:s24], $0x1A00  }
0xe8: {  	[sflag:s24] =	ssyncset.done $0x0  }
0xe9: {  	s13 =	sadd.s32 $0xC80, s10;
	[sflag:s24] =	ssyncadd.s32 $0xFFFFE600  }
0xea: {  	[hbm4b:s13+s14] =	stream.strided.scatter [tilespmem:s28], [sflag:$0x3], $0x1A00, s20, s14, $0x38;
	[tilespmem:$0x19800] =	vst v63  }
0xeb: {  	_ =	swait.ge [sflag:s26], $0x1800  }
0xec: {  	[sflag:s26] =	ssyncset.done $0x0  }
0xed: {  	s22 =	sadd.s32 $0x1300, s10;
	[sflag:s26] =	ssyncadd.s32 $0xFFFFE800  }
0xee: {  	[hbm4b:s22+s14] =	stream.strided.scatter [tilespmem:s21], [sflag:$0x4], $0x1800, s20, s14, $0x38;
	[tilespmem:$0x19800] =	vst v63  }
0xef: {  	_ =	swait.ge [sflag:s29], $0x1A00  }
0xf0: {  	[sflag:s29] =	ssyncset.done $0x0  }
0xf1: {  	s24 =	sadd.s32 $0x1900, s10;
	[sflag:s29] =	ssyncadd.s32 $0xFFFFE600  }
0xf2: {  	[hbm4b:s24+s14] =	stream.strided.scatter [tilespmem:s23], [sflag:$0x5], $0x1A00, s20, s14, $0x38;
	[tilespmem:$0x19800] =	vst v63  }
0xf3: {  	_ =	swait.ge [sflag:s30], $0x1800  }
0xf4: {  	[sflag:s30] =	ssyncset.done $0x0  }
0xf5: {  	s25 =	sadd.s32 $0x1F80, s10;
	[sflag:s30] =	ssyncadd.s32 $0xFFFFE800  }
0xf6: {  	[hbm4b:s25+s14] =	stream.strided.scatter [tilespmem:s19], [sflag:$0x6], $0x1800, s20, s14, $0x38;
	[tilespmem:$0x19800] =	vst v63  }
0xf7: {  	s15 =	sadd.s32 $0x320, s15;
	_ =	swait.ge [sflag:s31], $0x1A00  }
0xf8: {  	p1 =	sne.s32 s15, $0x6658;
	[sflag:s31] =	ssyncset.done $0x0  }
.Ltmp0:
0xf9: {  	s28 =	sadd.s32 $0x2580, s10;
	[sflag:s31] =	ssyncadd.s32 $0xFFFFE600;
	(pc) =	sbr.rel @p1 .LBB2_2-.Ltmp0, $4  }
0xfa: {  	[hbm4b:s28+s14] =	stream.strided.scatter [tilespmem:s17], [sflag:$0x7], $0x1A00, s20, s14, $0x38;
	[tilespmem:$0x19800] =	vst v63  }
0xfb: {  	s2 =	sadd.s32 $0x320, s2;
	_ =	swait.ge [sflag:s16], $0x1800  }
0xfc: {  	p0 =	por p2, p2;
	s3 =	sadd.s32 $0x4, s3;
	[sflag:s16] =	ssyncset.done $0x0  }
0xfd: {  	s10 =	sadd.s32 $0x2C00, s10;
	s26 =	smov.u32 s18;
	[sflag:s16] =	ssyncadd.s32 $0xFFFFE800  }
0xfe: {  	s15 =	simm.s32 $0x17E00;
	s23 =	simm.s32 $0x40;
	s20 =	simm.s32 $0x80  }
0xff: {  	[hbm4b:s10+s23] =	stream.strided.scatter [tilespmem:s15], [sflag:$0x8], $0x1800, s20, s23, $0x38;
	[tilespmem:$0x19800] =	vst v63  }
0x100: {  	s10 =	simm.s32 @p0 $0x1  }
0x101: {  	_ =	swait.ge @p0 [sflag:s10], $0x1A00  }
0x102: {  	s11 =	simm.s32 @p0 $0xC800;
	s12 =	simm.s32 @p0 $0x2;
	[sflag:s10] =	ssyncset.done @p0 $0x0  }
0x103: {  	s13 =	simm.s32 @p0 $0x68;
	[sflag:s10] =	ssyncadd.s32 @p0 $0xFFFFE600;
	s10 =	sadd.s32 @p0 $0xFFFFFDA8, s2  }
0x104: {  	[tilespmem:s11], [sflag:$0x1] =	stream.indirect.gather @p0 [hbm4b:s4+s13], $0x40, s10, s13, $0xb8;
	[tilespmem:$0x19800] =	vst v63  }
0x105: {  	_ =	swait.ge @p0 [sflag:s12], $0x1800  }
0x106: {  	s10 =	simm.s32 @p0 $0xE200;
	[sflag:s12] =	ssyncset.done @p0 $0x0  }
0x107: {  	s11 =	sadd.s32 @p0 $0xFFFFFE10, s2;
	[sflag:s12] =	ssyncadd.s32 @p0 $0xFFFFE800;
	s12 =	simm.s32 @p0 $0x60  }
0x108: {  	[tilespmem:s10], [sflag:$0x2] =	stream.indirect.gather @p0 [hbm4b:s4+s12], $0x40, s11, s12, $0xb8;
	[tilespmem:$0x19800] =	vst v63  }
0x109: {  	s10 =	simm.s32 @p0 $0x3  }
0x10a: {  	_ =	swait.ge @p0 [sflag:s10], $0x1A00  }
0x10b: {  	[sflag:s10] =	ssyncset.done @p0 $0x0  }
0x10c: {  	s11 =	simm.s32 @p0 $0xFC00;
	[sflag:s10] =	ssyncadd.s32 @p0 $0xFFFFE600;
	s10 =	sadd.s32 @p0 $0xFFFFFE70, s2  }
0x10d: {  	[tilespmem:s11], [sflag:$0x3] =	stream.indirect.gather @p0 [hbm4b:s4+s13], $0x40, s10, s13, $0xb8;
	[tilespmem:$0x19800] =	vst v63  }
0x10e: {  	s10 =	simm.s32 @p0 $0x4  }
0x10f: {  	_ =	swait.ge @p0 [sflag:s10], $0x1800  }
0x110: {  	[sflag:s10] =	ssyncset.done @p0 $0x0  }
0x111: {  	s11 =	simm.s32 @p0 $0x11600;
	[sflag:s10] =	ssyncadd.s32 @p0 $0xFFFFE800;
	s10 =	sadd.s32 @p0 $0xFFFFFED8, s2  }
0x112: {  	[tilespmem:s11], [sflag:$0x4] =	stream.indirect.gather @p0 [hbm4b:s4+s12], $0x40, s10, s12, $0xb8;
	[tilespmem:$0x19800] =	vst v63  }
0x113: {  	s10 =	simm.s32 @p0 $0x5  }
0x114: {  	_ =	swait.ge @p0 [sflag:s10], $0x1A00  }
0x115: {  	[sflag:s10] =	ssyncset.done @p0 $0x0  }
0x116: {  	s11 =	simm.s32 @p0 $0x13000;
	[sflag:s10] =	ssyncadd.s32 @p0 $0xFFFFE600;
	s10 =	sadd.s32 @p0 $0xFFFFFF38, s2  }
0x117: {  	[tilespmem:s11], [sflag:$0x5] =	stream.indirect.gather @p0 [hbm4b:s4+s13], $0x40, s10, s13, $0xb8;
	[tilespmem:$0x19800] =	vst v63  }
0x118: {  	s10 =	simm.s32 @p0 $0x6  }
0x119: {  	_ =	swait.ge @p0 [sflag:s10], $0x1800  }
0x11a: {  	[sflag:s10] =	ssyncset.done @p0 $0x0  }
0x11b: {  	s11 =	simm.s32 @p0 $0x14A00;
	[sflag:s10] =	ssyncadd.s32 @p0 $0xFFFFE800;
	s10 =	sadd.s32 @p0 $0xFFFFFFA0, s2  }
0x11c: {  	[tilespmem:s11], [sflag:$0x6] =	stream.indirect.gather @p0 [hbm4b:s4+s12], $0x40, s10, s12, $0xb8;
	[tilespmem:$0x19800] =	vst v63  }
0x11d: {  	s10 =	simm.s32 @p0 $0x7  }
0x11e: {  	_ =	swait.ge @p0 [sflag:s10], $0x1A00  }
0x11f: {  	[sflag:s10] =	ssyncset.done @p0 $0x0  }
0x120: {  	s11 =	simm.s32 @p0 $0x8;
	[sflag:s10] =	ssyncadd.s32 @p0 $0xFFFFE600;
	s10 =	simm.s32 @p0 $0x16400  }
0x121: {  	[tilespmem:s10], [sflag:$0x7] =	stream.indirect.gather @p0 [hbm4b:s4+s13], $0x40, s2, s13, $0xb8;
	[tilespmem:$0x19800] =	vst v63  }
0x122: {  	_ =	swait.ge @p0 [sflag:s11], $0x1800  }
0x123: {  	s2 =	simm.s32 @!p0 $0xC800;
	[sflag:s11] =	ssyncset.done @p0 $0x0  }
0x124: {  	s10 =	simm.s32 @!p0 $0x68;
	[sflag:s11] =	ssyncadd.s32 @p0 $0xFFFFE800;
	s11 =	simm.s32 @!p0 $0x0  }
0x125: {  	[tilespmem:s2], [sflag:$0x1] =	stream.indirect.gather @!p0 [hbm4b:s4+s10], $0x40, s11, s10, $0xb8;
	[tilespmem:$0x19800] =	vst v63  }
0x126: {  	s2 =	simm.s32 @!p0 $0x60;
	s11 =	simm.s32 @!p0 $0xE200  }
0x127: {  	[tilespmem:s11], [sflag:$0x2] =	stream.indirect.gather @!p0 [hbm4b:s4+s2], $0x40, s10, s2, $0xb8;
	[tilespmem:$0x19800] =	vst v63  }
0x128: {  	s12 =	simm.s32 @!p0 $0xFC00;
	s11 =	simm.s32 @!p0 $0xC8  }
0x129: {  	[tilespmem:s12], [sflag:$0x3] =	stream.indirect.gather @!p0 [hbm4b:s4+s10], $0x40, s11, s10, $0xb8;
	[tilespmem:$0x19800] =	vst v63  }
0x12a: {  	s11 =	simm.s32 @!p0 $0x130;
	s12 =	simm.s32 @!p0 $0x11600  }
0x12b: {  	[tilespmem:s12], [sflag:$0x4] =	stream.indirect.gather @!p0 [hbm4b:s4+s2], $0x40, s11, s2, $0xb8;
	[tilespmem:$0x19800] =	vst v63  }
0x12c: {  	s11 =	simm.s32 @!p0 $0x190;
	s12 =	simm.s32 @!p0 $0x13000  }
0x12d: {  	[tilespmem:s12], [sflag:$0x5] =	stream.indirect.gather @!p0 [hbm4b:s4+s10], $0x40, s11, s10, $0xb8;
	[tilespmem:$0x19800] =	vst v63  }
0x12e: {  	s11 =	simm.s32 @!p0 $0x1F8;
	s12 =	simm.s32 @!p0 $0x14A00  }
0x12f: {  	[tilespmem:s12], [sflag:$0x6] =	stream.indirect.gather @!p0 [hbm4b:s4+s2], $0x40, s11, s2, $0xb8;
	[tilespmem:$0x19800] =	vst v63  }
0x130: {  	s26 =	simm.s32 @!p0 $0x0;
	s2 =	simm.s32 @!p0 $0x258;
	s11 =	simm.s32 @!p0 $0x16400  }
0x131: {  	[tilespmem:s11], [sflag:$0x7] =	stream.indirect.gather @!p0 [hbm4b:s4+s10], $0x40, s2, s10, $0xb8;
	[tilespmem:$0x19800] =	vst v63  }
0x132: {  	s18 =	sadd.s32 $0x2C0, s26;
	s10 =	simm.s32 $0x60;
	s11 =	simm.s32 $0x1  }
0x133: {  	[tilespmem:s15], [sflag:$0x8] =	stream.indirect.gather [hbm4b:s4+s10], $0x40, s18, s10, $0xb8;
	[tilespmem:$0x19800] =	vst v63  }
0x134: {  	s19 =	sadd.s32 $0x6400, s26;
	_ =	swait.ge [sflag:s11], $0x1A00  }
0x135: {  	s13 =	simm.s32 $0xC800;
	s12 =	simm.s32 $0x68;
	[sflag:s11] =	ssyncset.done $0x0  }
0x136: {  	s2 =	simm.s32 $0x2;
	s5 =	rddreg [dreg:$0x6];
	[sflag:s11] =	ssyncadd.s32 $0xFFFFE600  }
0x137: {  	[tilespmem:s13], [sflag:$0x1] =	stream.indirect.gather.add.f32 [hbm:s5], $0x40, s19, s12, $0xb8;
	[tilespmem:$0x19800] =	vst v63  }
0x138: {  	_ =	swait.ge [sflag:s2], $0x1800  }
0x139: {  	s1 =	sadd.s32 $0x6400, s1;
	[sflag:s2] =	ssyncset.done $0x0  }
0x13a: {  	s16 =	simm.s32 $0xE200;
	s17 =	simm.s32 $0x3;
	[sflag:s2] =	ssyncadd.s32 $0xFFFFE800  }
0x13b: {  	[tilespmem:s16], [sflag:$0x2] =	stream.indirect.gather.add.f32 [hbm:s5], $0x40, s1, s10, $0xb8;
	[tilespmem:$0x19800] =	vst v63  }
0x13c: {  	_ =	swait.ge [sflag:s17], $0x1A00  }
0x13d: {  	s21 =	sadd.s32 $0x6400, s9;
	[sflag:s17] =	ssyncset.done $0x0  }
0x13e: {  	s9 =	simm.s32 $0xFC00;
	s18 =	simm.s32 $0x4;
	[sflag:s17] =	ssyncadd.s32 $0xFFFFE600  }
0x13f: {  	[tilespmem:s9], [sflag:$0x3] =	stream.indirect.gather.add.f32 [hbm:s5], $0x40, s21, s12, $0xb8;
	[tilespmem:$0x19800] =	vst v63  }
0x140: {  	_ =	swait.ge [sflag:s18], $0x1800  }
0x141: {  	s22 =	sadd.s32 $0x6400, s8;
	[sflag:s18] =	ssyncset.done $0x0  }
0x142: {  	s8 =	simm.s32 $0x11600;
	s19 =	simm.s32 $0x5;
	[sflag:s18] =	ssyncadd.s32 $0xFFFFE800  }
0x143: {  	[tilespmem:s8], [sflag:$0x4] =	stream.indirect.gather.add.f32 [hbm:s5], $0x40, s22, s10, $0xb8;
	[tilespmem:$0x19800] =	vst v63  }
0x144: {  	_ =	swait.ge [sflag:s19], $0x1A00  }
0x145: {  	[sflag:s19] =	ssyncset.done $0x0  }
0x146: {  	s24 =	sadd.s32 $0x6400, s7;
	s7 =	simm.s32 $0x13000;
	[sflag:s19] =	ssyncadd.s32 $0xFFFFE600  }
0x147: {  	[tilespmem:s7], [sflag:$0x5] =	stream.indirect.gather.add.f32 [hbm:s5], $0x40, s24, s12, $0xb8;
	[tilespmem:$0x19800] =	vst v63  }
0x148: {  	s24 =	simm.s32 $0x6  }
0x149: {  	_ =	swait.ge [sflag:s24], $0x1800  }
0x14a: {  	s25 =	sadd.s32 $0x6400, s6;
	[sflag:s24] =	ssyncset.done $0x0  }
0x14b: {  	s28 =	simm.s32 $0x14A00;
	s21 =	simm.s32 $0x7;
	[sflag:s24] =	ssyncadd.s32 $0xFFFFE800  }
0x14c: {  	[tilespmem:s28], [sflag:$0x6] =	stream.indirect.gather.add.f32 [hbm:s5], $0x40, s25, s10, $0xb8;
	[tilespmem:$0x19800] =	vst v63  }
0x14d: {  	_ =	swait.ge [sflag:s21], $0x1A00  }
0x14e: {  	s14 =	rddreg [dreg:$0x5]  }
0x14f: {  	[sflag:s21] =	ssyncset.done $0x0;
	s14 =	simm.s32 @!p0 $0x258  }
0x150: {  	s22 =	simm.s32 $0x16400;
	[sflag:s21] =	ssyncadd.s32 $0xFFFFE600;
	s0 =	sadd.s32 $0x6400, s14  }
0x151: {  	[tilespmem:s22], [sflag:$0x7] =	stream.indirect.gather.add.f32 [hbm:s5], $0x40, s0, s12, $0xb8;
	[tilespmem:$0x19800] =	vst v63  }
0x152: {  	s12 =	simm.s32 $0x8  }
0x153: {  	_ =	swait.ge [sflag:s12], $0x1800  }
0x154: {  	[sflag:s12] =	ssyncset.done $0x0;
	s0 =	rddreg [dreg:$0x4]  }
0x155: {  	s1 =	sadd.s32 $0x66C0, s26;
	[sflag:s12] =	ssyncadd.s32 $0xFFFFE800;
	s0 =	smov.u32 @p0 s3  }
0x156: {  	[tilespmem:s15], [sflag:$0x8] =	stream.indirect.gather.add.f32 [hbm:s5], $0x40, s1, s10, $0xb8;
	[tilespmem:$0x19800] =	vst v63  }
0x157: {  	s0 =	smul.u32 $0x6400, s0  }
0x158: {  	_ =	swait.ge [sflag:s11], $0x1A00  }
0x159: {  	s5 =	rddreg [dreg:$0x3];
	[sflag:s11] =	ssyncset.done $0x0;
	s0 =	sshrl.u32 s0, $0x3  }
0x15a: {  	[sflag:s11] =	ssyncadd.s32 $0xFFFFE600;
	s0 =	sadd.s32 s5, s0  }
0x15b: {  	[hbm4b:s0+s23] =	stream.strided.scatter [tilespmem:s13], [sflag:$0x1], $0x1A00, s20, s23, $0x38;
	[tilespmem:$0x19800] =	vst v63  }
0x15c: {  	_ =	swait.ge [sflag:s2], $0x1800  }
0x15d: {  	[sflag:s2] =	ssyncset.done $0x0  }
0x15e: {  	s1 =	sadd.s32 $0x680, s0;
	[sflag:s2] =	ssyncadd.s32 $0xFFFFE800  }
0x15f: {  	[hbm4b:s1+s23] =	stream.strided.scatter [tilespmem:s16], [sflag:$0x2], $0x1800, s20, s23, $0x38;
	[tilespmem:$0x19800] =	vst v63  }
0x160: {  	_ =	swait.ge [sflag:s17], $0x1A00  }
0x161: {  	[sflag:s17] =	ssyncset.done $0x0  }
0x162: {  	s10 =	sadd.s32 $0xC80, s0;
	[sflag:s17] =	ssyncadd.s32 $0xFFFFE600  }
0x163: {  	[hbm4b:s10+s23] =	stream.strided.scatter [tilespmem:s9], [sflag:$0x3], $0x1A00, s20, s23, $0x38;
	[tilespmem:$0x19800] =	vst v63  }
0x164: {  	_ =	swait.ge [sflag:s18], $0x1800  }
0x165: {  	[sflag:s18] =	ssyncset.done $0x0  }
0x166: {  	s13 =	sadd.s32 $0x1300, s0;
	[sflag:s18] =	ssyncadd.s32 $0xFFFFE800  }
0x167: {  	[hbm4b:s13+s23] =	stream.strided.scatter [tilespmem:s8], [sflag:$0x4], $0x1800, s20, s23, $0x38;
	[tilespmem:$0x19800] =	vst v63  }
0x168: {  	_ =	swait.ge [sflag:s19], $0x1A00  }
0x169: {  	[sflag:s19] =	ssyncset.done $0x0  }
0x16a: {  	s14 =	sadd.s32 $0x1900, s0;
	[sflag:s19] =	ssyncadd.s32 $0xFFFFE600  }
0x16b: {  	[hbm4b:s14+s23] =	stream.strided.scatter [tilespmem:s7], [sflag:$0x5], $0x1A00, s20, s23, $0x38;
	[tilespmem:$0x19800] =	vst v63  }
0x16c: {  	_ =	swait.ge [sflag:s24], $0x1800  }
0x16d: {  	[sflag:s24] =	ssyncset.done $0x0  }
0x16e: {  	s16 =	sadd.s32 $0x1F80, s0;
	[sflag:s24] =	ssyncadd.s32 $0xFFFFE800  }
0x16f: {  	[hbm4b:s16+s23] =	stream.strided.scatter [tilespmem:s28], [sflag:$0x6], $0x1800, s20, s23, $0x38;
	[tilespmem:$0x19800] =	vst v63  }
0x170: {  	_ =	swait.ge [sflag:s21], $0x1A00  }
0x171: {  	[sflag:s21] =	ssyncset.done $0x0  }
0x172: {  	s25 =	sadd.s32 $0x2580, s0;
	[sflag:s21] =	ssyncadd.s32 $0xFFFFE600  }
0x173: {  	[hbm4b:s25+s23] =	stream.strided.scatter [tilespmem:s22], [sflag:$0x7], $0x1A00, s20, s23, $0x38;
	[tilespmem:$0x19800] =	vst v63  }
0x174: {  	_ =	swait.ge [sflag:s12], $0x1800  }
0x175: {  	[sflag:s12] =	ssyncset.done $0x0  }
0x176: {  	s0 =	sadd.s32 $0x2C00, s0;
	[sflag:s12] =	ssyncadd.s32 $0xFFFFE800  }
0x177: {  	[hbm4b:s0+s23] =	stream.strided.scatter [tilespmem:s15], [sflag:$0x8], $0x1800, s20, s23, $0x38;
	[tilespmem:$0x19800] =	vst v63  }
0x178: {  	_ =	swait.ge [sflag:s11], $0x1A00  }
0x179: {  	[sflag:s11] =	ssyncset.done $0x0  }
0x17a: {  	[sflag:s11] =	ssyncadd.s32 $0xFFFFE600  }
0x17b: {  	_ =	swait.ge [sflag:s2], $0x1800  }
0x17c: {  	[sflag:s2] =	ssyncset.done $0x0  }
0x17d: {  	[sflag:s2] =	ssyncadd.s32 $0xFFFFE800  }
0x17e: {  	_ =	swait.ge [sflag:s17], $0x1A00  }
0x17f: {  	[sflag:s17] =	ssyncset.done $0x0  }
0x180: {  	[sflag:s17] =	ssyncadd.s32 $0xFFFFE600  }
0x181: {  	_ =	swait.ge [sflag:s18], $0x1800  }
0x182: {  	[sflag:s18] =	ssyncset.done $0x0  }
0x183: {  	[sflag:s18] =	ssyncadd.s32 $0xFFFFE800  }
0x184: {  	_ =	swait.ge [sflag:s19], $0x1A00  }
0x185: {  	[sflag:s19] =	ssyncset.done $0x0  }
0x186: {  	[sflag:s19] =	ssyncadd.s32 $0xFFFFE600  }
0x187: {  	_ =	swait.ge [sflag:s24], $0x1800  }
0x188: {  	[sflag:s24] =	ssyncset.done $0x0  }
0x189: {  	[sflag:s24] =	ssyncadd.s32 $0xFFFFE800  }
0x18a: {  	_ =	swait.ge [sflag:s21], $0x1A00  }
0x18b: {  	[sflag:s21] =	ssyncset.done $0x0  }
0x18c: {  	[sflag:s21] =	ssyncadd.s32 $0xFFFFE600  }
0x18d: {  	_ =	swait.ge [sflag:s12], $0x1800  }
0x18e: {  	s26 =	rddreg [dreg:$0xa]  }
0x18f: {  	s28 =	rddreg [dreg:$0x9];
	s1 =	sadd.s32 $0x1, s26  }
0x190: {  	p0 =	sne.s32 s1, s28  }
.Ltmp1:
0x191: {  	_ = 	snop;
	(pc) =	sbr.rel @p0 .LBB2_1-.Ltmp1, $3  }
0x192: {  	_ =	sdelay $0x1  }
0x193: {  	[sflag:s12] =	ssyncset.done $0x0  }
0x194: {  	[sflag:s12] =	ssyncadd.s32 $0xFFFFE800  }
0x195: {  	_ =	sfence.sel $0x180000  }
0x196: {  	[bflag:$0x0] =	sbarrier.arrive $0xFFFF  }
0x197: {  	_ =	strace $0x90000047  }
0x198: {  	s0 =	stileid.u32;
	[bflag:$0x2] =	sbarrier.arrive $0xFFFF  }
0x199: {  	p0 =	sne.s32 s0, $0x0;
	s0 =	rddreg [dreg:$0x2]  }
0x19a: {  	s0 =	sadd.s32 @!p0 $0x100000, s0  }
0x19b: {  	[sflag:s0] =	ssyncadd.tile.s32 @!p0 $0x1;
	_ =	shalt  }
.Lfunc_end2:
_tile_overlayer_lowered:
.L_overlay_start_2:
0x19c: {  	(tag) =	ssettag $0x2  }
0x19d: {  	s0 =	rddreg [dreg:$0x0];
	s2 =	stileid.u32  }
0x19e: {  	s1 =	rddreg [dreg:$0x1];
	p0 =	sne.s32 s2, $0x0  }
0x19f: {  	s3 =	rddreg [dreg:$0x2];
	[bflag:$0x3] =	sbarrier.arrive $0xFFFF;
	s2 =	simm.s32 @!p0 $0x1C09  }
0x1a0: {  	[timem:s3], [sflag:s2] =	dma.local @!p0 [hbm:s0], s1  }
0x1a1: {  	s0 =	simm.s32 @!p0 $0x9  }
0x1a2: {  	_ =	swait.ge @!p0 [sflag:s0], s1  }
0x1a3: {  	s1 =	ssub.s32 @!p0 $0x0, s1;
	[sflag:s0] =	ssyncset.done @!p0 $0x0  }
0x1a4: {  	[sflag:s0] =	ssyncadd.s32 @!p0 s1  }
0x1a5: {  	[bflag:$0x3] =	sbarrier.arrive $0xFFFF  }
0x1a6: {  	_ =	shalt  }

</sc_bundles>
